<compile_context>
chip_gen: v7x
topology: tpu7x:2x2x1
jax: 0.10.2.dev20260603
libtpu: 0.0.44.dev20260713+nightly
codegen_flags: <defaults>
</compile_context>

<pallas_src>
import functools

import jax
import jax.numpy as jnp
import numpy as np
from jax import lax
from jax.experimental import pallas as pl
from jax.experimental.pallas import tpu as pltpu
from jax.experimental.pallas import tpu_sc as plsc

_NBUF = 4
_LANE = 128


def _sin_pe(max_len, d):
    pos = np.arange(max_len, dtype=np.float32)[:, None]
    div = np.exp(np.arange(0, d, 2, dtype=np.float32) * (-np.log(10000.0) / d))
    pe = np.zeros((max_len, d), dtype=np.float32)
    pe[:, 0::2] = np.sin(pos * div)
    pe[:, 1::2] = np.cos(pos * div)
    return pe


@functools.lru_cache(maxsize=None)
def _build(B, L, D, V):
    info = plsc.get_sparse_core_info()
    NC, NS = info.num_cores, info.num_subcores
    NW = NC * NS
    assert B % NW == 0
    n_chunks = B // NW
    assert n_chunks % _NBUF == 0 and n_chunks >= _NBUF
    G0 = 128
    G1 = L - G0
    mesh = plsc.VectorSubcoreMesh(core_axis_name="c", subcore_axis_name="s")

    @functools.partial(
        pl.kernel,
        out_type=jax.ShapeDtypeStruct((B, L, _LANE), jnp.float32),
        mesh=mesh,
        scratch_types=[pltpu.VMEM_SHARED((L, _LANE), jnp.float32)]
        + [pltpu.VMEM((L,), jnp.int32) for _ in range(_NBUF)]
        + [pltpu.VMEM((L, _LANE), jnp.float32) for _ in range(_NBUF)]
        + [pltpu.SemaphoreType.DMA for _ in range(4 * _NBUF)],
        compiler_params=pltpu.CompilerParams(use_tc_tiling_on_sc=True),
    )
    def emb(x_hbm, pe_hbm, table_hbm, out_hbm, pe_v, *refs):
        idxs = refs[:_NBUF]
        bufs = refs[_NBUF : 2 * _NBUF]
        sem_i = refs[2 * _NBUF : 3 * _NBUF]
        sem_g = refs[3 * _NBUF : 4 * _NBUF]
        sem_o = refs[4 * _NBUF : 5 * _NBUF]
        sem_p = refs[5 * _NBUF :]

        wid = lax.axis_index("s") * NC + lax.axis_index("c")
        seq0 = wid * n_chunks

        @pl.when(lax.axis_index("s") == 0)
        def _():
            pltpu.sync_copy(pe_hbm, pe_v)

        plsc.subcore_barrier()

        def start_idx(c, b):
            pltpu.async_copy(x_hbm.at[seq0 + c], idxs[b], sem_i[b])

        def wait_idx(b):
            pltpu.make_async_copy(x_hbm.at[0], idxs[b], sem_i[b]).wait()

        def start_prefill(b):
            pltpu.async_copy(pe_v, bufs[b], sem_p[b])

        def wait_prefill(b):
            pltpu.make_async_copy(pe_v, bufs[b], sem_p[b]).wait()

        def start_gather(b):
            pltpu.async_copy(
                table_hbm.at[idxs[b].at[pl.ds(0, G0)]],
                bufs[b].at[pl.ds(0, G0)],
                sem_g[b],
                add=True,
            )
            pltpu.async_copy(
                table_hbm.at[idxs[b].at[pl.ds(G0, G1)]],
                bufs[b].at[pl.ds(G0, G1)],
                sem_g[b],
                add=True,
            )

        def wait_gather(b):
            pltpu.make_async_copy(
                table_hbm.at[idxs[b].at[pl.ds(0, G0)]], bufs[b].at[pl.ds(0, G0)], sem_g[b]
            ).wait()
            pltpu.make_async_copy(
                table_hbm.at[idxs[b].at[pl.ds(0, G1)]], bufs[b].at[pl.ds(G0, G1)], sem_g[b]
            ).wait()

        def start_out(c, b):
            pltpu.async_copy(bufs[b], out_hbm.at[seq0 + c], sem_o[b])

        def wait_out(b):
            pltpu.make_async_copy(bufs[b], out_hbm.at[0], sem_o[b]).wait()

        for b in range(3):
            start_idx(b, b)
            start_prefill(b)
        for b in range(2):
            wait_idx(b)
            wait_prefill(b)
            start_gather(b)

        def grp_body(grp, carry):
            c_base = grp * _NBUF
            for bb in range(_NBUF):
                c = c_base + bb
                wait_gather(bb)
                start_out(c, bb)

                c3 = c + 3
                b3 = (bb + 3) % _NBUF

                @pl.when(jnp.logical_and(c3 < n_chunks, c3 >= _NBUF))
                def _():
                    wait_out(b3)

                @pl.when(c3 < n_chunks)
                def _():
                    start_idx(c3, b3)
                    start_prefill(b3)

                c1 = c + 2
                b1 = (bb + 2) % _NBUF

                @pl.when(c1 < n_chunks)
                def _():
                    wait_idx(b1)
                    wait_prefill(b1)
                    start_gather(b1)

            return carry

        lax.fori_loop(0, n_chunks // _NBUF, grp_body, 0)
        for b in range(_NBUF):
            wait_out(b)

    return emb


def kernel(x, table):
    B, L = x.shape
    V, D = table.shape
    pe_half = _sin_pe(L, D)
    pe = np.concatenate([pe_half, pe_half], axis=1)
    table_pairs = jnp.reshape(table, (V // 2, _LANE))
    xi = x.astype(jnp.int32)
    out_wide = _build(B, L, D, V)(
        jnp.right_shift(xi, 1), jnp.asarray(pe), table_pairs
    )
    ow = out_wide.reshape(B, L, 2, D)
    return jnp.where((xi & 1)[:, :, None] == 1, ow[:, :, 1, :], ow[:, :, 0, :])

# --- scband reference (transcript-rebuilt; emitter-appended) ---
"""Pipeline reference for scband-embedding-with-pe-10943576670451 (READ-ONLY COPY).

The authoritative reference and input builder live on the scoring server;
editing this copy changes nothing except your own understanding.
"""

import jax, jax.numpy as jnp
import numpy as np

VOCAB = 1000000
DIM = 64
MAX_LEN = 200
BATCH = 4096
SEQ = 200


def _sinusoidal_pe(max_len, d):
    pos = jnp.arange(max_len, dtype=jnp.float32)[:, None]
    div = jnp.exp(jnp.arange(0, d, 2, dtype=jnp.float32) * (-jnp.log(10000.0) / d))
    pe = jnp.zeros((max_len, d), dtype=jnp.float32)
    pe = pe.at[:, 0::2].set(jnp.sin(pos * div))
    pe = pe.at[:, 1::2].set(jnp.cos(pos * div))
    return pe


def setup_inputs(seed: int = 0) -> dict:
    key = jax.random.key(seed)
    k1, k2 = jax.random.split(key)
    x = jax.random.randint(k1, (BATCH, SEQ), 0, VOCAB, dtype=jnp.int64 if jax.config.jax_enable_x64 else jnp.int32)
    table = jax.random.normal(k2, (VOCAB, DIM), dtype=jnp.float32)
    return {"x": x, "table": table}


def reference(x, table):
    # nn.Embedding lookup
    emb = jnp.take(table, x, axis=0)  # [B, L, D]
    # sinusoidal positional encoding added (non-learnable default)
    pe = _sinusoidal_pe(MAX_LEN, DIM)
    out = emb + pe[None, : emb.shape[1], :]
    return out

if __name__ == "__main__":
    import jax
    _d = setup_inputs()
    print(jax.jit(kernel)(*tuple(_d.values())))

</pallas_src>

<mosaic_0001>
#map = affine_map<(d0, d1) -> (0, 0)>
#map1 = affine_map<(d0, d1) -> (0, 0, 0)>
module attributes {stable_mosaic.version = 14 : i64} {
  func.func @emb(%arg0: i32, %arg1: i32, %arg2: memref<4096x200xi32, #tpu.memory_space<hbm>>, %arg3: memref<200x128xf32, #tpu.memory_space<hbm>>, %arg4: memref<500000x128xf32, #tpu.memory_space<hbm>>, %arg5: memref<4096x200x128xf32, #tpu.memory_space<hbm>>, %arg6: memref<200x128xf32, #tpu.memory_space<vmem_shared>>, %arg7: memref<200xi32, #tpu.memory_space<vmem>>, %arg8: memref<200xi32, #tpu.memory_space<vmem>>, %arg9: memref<200xi32, #tpu.memory_space<vmem>>, %arg10: memref<200xi32, #tpu.memory_space<vmem>>, %arg11: memref<200x128xf32, #tpu.memory_space<vmem>>, %arg12: memref<200x128xf32, #tpu.memory_space<vmem>>, %arg13: memref<200x128xf32, #tpu.memory_space<vmem>>, %arg14: memref<200x128xf32, #tpu.memory_space<vmem>>, %arg15: memref<!tpu.dma_semaphore, #tpu.memory_space<semaphore_mem>>, %arg16: memref<!tpu.dma_semaphore, #tpu.memory_space<semaphore_mem>>, %arg17: memref<!tpu.dma_semaphore, #tpu.memory_space<semaphore_mem>>, %arg18: memref<!tpu.dma_semaphore, #tpu.memory_space<semaphore_mem>>, %arg19: memref<!tpu.dma_semaphore, #tpu.memory_space<semaphore_mem>>, %arg20: memref<!tpu.dma_semaphore, #tpu.memory_space<semaphore_mem>>, %arg21: memref<!tpu.dma_semaphore, #tpu.memory_space<semaphore_mem>>, %arg22: memref<!tpu.dma_semaphore, #tpu.memory_space<semaphore_mem>>, %arg23: memref<!tpu.dma_semaphore, #tpu.memory_space<semaphore_mem>>, %arg24: memref<!tpu.dma_semaphore, #tpu.memory_space<semaphore_mem>>, %arg25: memref<!tpu.dma_semaphore, #tpu.memory_space<semaphore_mem>>, %arg26: memref<!tpu.dma_semaphore, #tpu.memory_space<semaphore_mem>>, %arg27: memref<!tpu.dma_semaphore, #tpu.memory_space<semaphore_mem>>, %arg28: memref<!tpu.dma_semaphore, #tpu.memory_space<semaphore_mem>>, %arg29: memref<!tpu.dma_semaphore, #tpu.memory_space<semaphore_mem>>, %arg30: memref<!tpu.dma_semaphore, #tpu.memory_space<semaphore_mem>>) attributes {dimension_semantics = [#tpu.dimension_semantics<core_parallel>, #tpu.dimension_semantics<subcore_parallel>], iteration_bounds = array<i64: 2, 16>, scalar_prefetch = 0 : i64, scratch_operands = 25 : i64, tpu.core_type = #tpu.core_type<sc_vector_subcore>, window_params = [{transform_indices = #map}, {transform_indices = #map}, {transform_indices = #map}, {transform_indices = #map1}]} {
    %mul3A = arith.constant 2 : i32
    %mul3A_0 = arith.muli %arg1, %mul3A : i32
    %add3A = arith.addi %mul3A_0, %arg0 : i32
    %mul3A_1 = arith.constant 128 : i32
    %mul3A_2 = arith.muli %add3A, %mul3A_1 : i32
    %eq3A = arith.constant 0 : i32
    %eq3A_3 = arith.cmpi eq, %arg1, %eq3A : i32
    %convert_element_type3A = arith.extui %eq3A_3 : i1 to i32
    %cond3A = arith.constant 0 : i32
    %cond3A_4 = arith.cmpi ne, %convert_element_type3A, %cond3A : i32
    scf.if %cond3A_4 {
      "tpu.region"() ({
        %run_scoped3A = tpu.sem_alloc : memref<!tpu.dma_semaphore, #tpu.memory_space<semaphore_mem>>
        tpu.enqueue_dma source(%arg3 : memref<200x128xf32, #tpu.memory_space<hbm>>) target(%arg6 : memref<200x128xf32, #tpu.memory_space<vmem_shared>>) target_semaphore(%run_scoped3A : memref<!tpu.dma_semaphore, #tpu.memory_space<semaphore_mem>>)
        tpu.wait_dma2 semaphore(%run_scoped3A : memref<!tpu.dma_semaphore, #tpu.memory_space<semaphore_mem>>) src(%arg3 : memref<200x128xf32, #tpu.memory_space<hbm>>) dst(%arg6 : memref<200x128xf32, #tpu.memory_space<vmem_shared>>)
        tpu.yield
      }) : () -> ()
    } else {
    }
    %barrier3A = arith.constant 0 : index
    tpu.barrier barrier_id(%barrier3A)
    %add3A_5 = arith.constant 0 : i32
    %add3A_6 = arith.addi %mul3A_2, %add3A_5 : i32
    %dma_start3A = arith.constant 0 : i32
    %dma_start3A_7 = tpu.memref_slice %arg2[%add3A_6, %dma_start3A] : memref<4096x200xi32, #tpu.memory_space<hbm>> -> memref<1x200xi32, #tpu.memory_space<hbm>>
    %dma_start3A_8 = tpu.memref_squeeze %dma_start3A_7 : memref<1x200xi32, #tpu.memory_space<hbm>> -> memref<200xi32, #tpu.memory_space<hbm>>
    %dma_start3A_9 = arith.constant 0 : i32
    %dma_start3A_10 = tpu.memref_slice %arg2[%add3A_6, %dma_start3A_9] : memref<4096x200xi32, #tpu.memory_space<hbm>> -> memref<1x200xi32, #tpu.memory_space<hbm>>
    %dma_start3A_11 = tpu.memref_squeeze %dma_start3A_10 : memref<1x200xi32, #tpu.memory_space<hbm>> -> memref<200xi32, #tpu.memory_space<hbm>>
    tpu.enqueue_dma source(%dma_start3A_11 : memref<200xi32, #tpu.memory_space<hbm>>) target(%arg7 : memref<200xi32, #tpu.memory_space<vmem>>) target_semaphore(%arg15 : memref<!tpu.dma_semaphore, #tpu.memory_space<semaphore_mem>>)
    tpu.enqueue_dma source(%arg6 : memref<200x128xf32, #tpu.memory_space<vmem_shared>>) target(%arg11 : memref<200x128xf32, #tpu.memory_space<vmem>>) target_semaphore(%arg27 : memref<!tpu.dma_semaphore, #tpu.memory_space<semaphore_mem>>)
    %add3A_12 = arith.constant 1 : i32
    %add3A_13 = arith.addi %mul3A_2, %add3A_12 : i32
    %dma_start3A_14 = arith.constant 0 : i32
    %dma_start3A_15 = tpu.memref_slice %arg2[%add3A_13, %dma_start3A_14] : memref<4096x200xi32, #tpu.memory_space<hbm>> -> memref<1x200xi32, #tpu.memory_space<hbm>>
    %dma_start3A_16 = tpu.memref_squeeze %dma_start3A_15 : memref<1x200xi32, #tpu.memory_space<hbm>> -> memref<200xi32, #tpu.memory_space<hbm>>
    %dma_start3A_17 = arith.constant 0 : i32
    %dma_start3A_18 = tpu.memref_slice %arg2[%add3A_13, %dma_start3A_17] : memref<4096x200xi32, #tpu.memory_space<hbm>> -> memref<1x200xi32, #tpu.memory_space<hbm>>
    %dma_start3A_19 = tpu.memref_squeeze %dma_start3A_18 : memref<1x200xi32, #tpu.memory_space<hbm>> -> memref<200xi32, #tpu.memory_space<hbm>>
    tpu.enqueue_dma source(%dma_start3A_19 : memref<200xi32, #tpu.memory_space<hbm>>) target(%arg8 : memref<200xi32, #tpu.memory_space<vmem>>) target_semaphore(%arg16 : memref<!tpu.dma_semaphore, #tpu.memory_space<semaphore_mem>>)
    tpu.enqueue_dma source(%arg6 : memref<200x128xf32, #tpu.memory_space<vmem_shared>>) target(%arg12 : memref<200x128xf32, #tpu.memory_space<vmem>>) target_semaphore(%arg28 : memref<!tpu.dma_semaphore, #tpu.memory_space<semaphore_mem>>)
    %add3A_20 = arith.constant 2 : i32
    %add3A_21 = arith.addi %mul3A_2, %add3A_20 : i32
    %dma_start3A_22 = arith.constant 0 : i32
    %dma_start3A_23 = tpu.memref_slice %arg2[%add3A_21, %dma_start3A_22] : memref<4096x200xi32, #tpu.memory_space<hbm>> -> memref<1x200xi32, #tpu.memory_space<hbm>>
    %dma_start3A_24 = tpu.memref_squeeze %dma_start3A_23 : memref<1x200xi32, #tpu.memory_space<hbm>> -> memref<200xi32, #tpu.memory_space<hbm>>
    %dma_start3A_25 = arith.constant 0 : i32
    %dma_start3A_26 = tpu.memref_slice %arg2[%add3A_21, %dma_start3A_25] : memref<4096x200xi32, #tpu.memory_space<hbm>> -> memref<1x200xi32, #tpu.memory_space<hbm>>
    %dma_start3A_27 = tpu.memref_squeeze %dma_start3A_26 : memref<1x200xi32, #tpu.memory_space<hbm>> -> memref<200xi32, #tpu.memory_space<hbm>>
    tpu.enqueue_dma source(%dma_start3A_27 : memref<200xi32, #tpu.memory_space<hbm>>) target(%arg9 : memref<200xi32, #tpu.memory_space<vmem>>) target_semaphore(%arg17 : memref<!tpu.dma_semaphore, #tpu.memory_space<semaphore_mem>>)
    tpu.enqueue_dma source(%arg6 : memref<200x128xf32, #tpu.memory_space<vmem_shared>>) target(%arg13 : memref<200x128xf32, #tpu.memory_space<vmem>>) target_semaphore(%arg29 : memref<!tpu.dma_semaphore, #tpu.memory_space<semaphore_mem>>)
    %dma_wait3A = arith.constant 0 : i32
    %dma_wait3A_28 = arith.constant 0 : i32
    %dma_wait3A_29 = tpu.memref_slice %arg2[%dma_wait3A, %dma_wait3A_28] : memref<4096x200xi32, #tpu.memory_space<hbm>> -> memref<1x200xi32, #tpu.memory_space<hbm>>
    %dma_wait3A_30 = tpu.memref_squeeze %dma_wait3A_29 : memref<1x200xi32, #tpu.memory_space<hbm>> -> memref<200xi32, #tpu.memory_space<hbm>>
    %dma_wait3A_31 = arith.constant 0 : i32
    %dma_wait3A_32 = tpu.memref_slice %arg2[%dma_wait3A, %dma_wait3A_31] : memref<4096x200xi32, #tpu.memory_space<hbm>> -> memref<1x200xi32, #tpu.memory_space<hbm>>
    %dma_wait3A_33 = tpu.memref_squeeze %dma_wait3A_32 : memref<1x200xi32, #tpu.memory_space<hbm>> -> memref<200xi32, #tpu.memory_space<hbm>>
    tpu.wait_dma2 semaphore(%arg15 : memref<!tpu.dma_semaphore, #tpu.memory_space<semaphore_mem>>) src(%dma_wait3A_33 : memref<200xi32, #tpu.memory_space<hbm>>) dst(%arg7 : memref<200xi32, #tpu.memory_space<vmem>>)
    tpu.wait_dma2 semaphore(%arg27 : memref<!tpu.dma_semaphore, #tpu.memory_space<semaphore_mem>>) src(%arg6 : memref<200x128xf32, #tpu.memory_space<vmem_shared>>) dst(%arg11 : memref<200x128xf32, #tpu.memory_space<vmem>>)
    %dma_start3A_34 = arith.constant 0 : i32
    %dma_start3A_35 = arith.constant 0 : i32
    %dma_start3A_36 = tpu.memref_slice %arg11[%dma_start3A_34, %dma_start3A_35] : memref<200x128xf32, #tpu.memory_space<vmem>> -> memref<128x128xf32, #tpu.memory_space<vmem>>
    %dma_start3A_37 = arith.constant 0 : i32
    %dma_start3A_38 = tpu.memref_slice %arg7[%dma_start3A_37] : memref<200xi32, #tpu.memory_space<vmem>> -> memref<128xi32, #tpu.memory_space<vmem>>
    %dma_start3A_39 = arith.constant 0 : i32
    %dma_start3A_40 = arith.constant 0 : i32
    %dma_start3A_41 = tpu.memref_slice %arg4[%dma_start3A_39, %dma_start3A_40] : memref<500000x128xf32, #tpu.memory_space<hbm>> -> memref<500000x128xf32, #tpu.memory_space<hbm>>
    tpu.enqueue_indirect_dma source(%dma_start3A_41 : memref<500000x128xf32, #tpu.memory_space<hbm>>) target(%dma_start3A_36 : memref<128x128xf32, #tpu.memory_space<vmem>>) offsets(%dma_start3A_38 : memref<128xi32, #tpu.memory_space<vmem>>) semaphore(%arg19 : memref<!tpu.dma_semaphore, #tpu.memory_space<semaphore_mem>>) {add = true}
    %dma_start3A_42 = arith.constant 128 : i32
    %dma_start3A_43 = arith.constant 0 : i32
    %dma_start3A_44 = tpu.memref_slice %arg11[%dma_start3A_42, %dma_start3A_43] : memref<200x128xf32, #tpu.memory_space<vmem>> -> memref<72x128xf32, #tpu.memory_space<vmem>>
    %dma_start3A_45 = arith.constant 128 : i32
    %dma_start3A_46 = tpu.memref_slice %arg7[%dma_start3A_45] : memref<200xi32, #tpu.memory_space<vmem>> -> memref<72xi32, #tpu.memory_space<vmem>>
    %dma_start3A_47 = arith.constant 0 : i32
    %dma_start3A_48 = arith.constant 0 : i32
    %dma_start3A_49 = tpu.memref_slice %arg4[%dma_start3A_47, %dma_start3A_48] : memref<500000x128xf32, #tpu.memory_space<hbm>> -> memref<500000x128xf32, #tpu.memory_space<hbm>>
    tpu.enqueue_indirect_dma source(%dma_start3A_49 : memref<500000x128xf32, #tpu.memory_space<hbm>>) target(%dma_start3A_44 : memref<72x128xf32, #tpu.memory_space<vmem>>) offsets(%dma_start3A_46 : memref<72xi32, #tpu.memory_space<vmem>>) semaphore(%arg19 : memref<!tpu.dma_semaphore, #tpu.memory_space<semaphore_mem>>) {add = true}
    %dma_wait3A_50 = arith.constant 0 : i32
    %dma_wait3A_51 = arith.constant 0 : i32
    %dma_wait3A_52 = tpu.memref_slice %arg2[%dma_wait3A_50, %dma_wait3A_51] : memref<4096x200xi32, #tpu.memory_space<hbm>> -> memref<1x200xi32, #tpu.memory_space<hbm>>
    %dma_wait3A_53 = tpu.memref_squeeze %dma_wait3A_52 : memref<1x200xi32, #tpu.memory_space<hbm>> -> memref<200xi32, #tpu.memory_space<hbm>>
    %dma_wait3A_54 = arith.constant 0 : i32
    %dma_wait3A_55 = tpu.memref_slice %arg2[%dma_wait3A_50, %dma_wait3A_54] : memref<4096x200xi32, #tpu.memory_space<hbm>> -> memref<1x200xi32, #tpu.memory_space<hbm>>
    %dma_wait3A_56 = tpu.memref_squeeze %dma_wait3A_55 : memref<1x200xi32, #tpu.memory_space<hbm>> -> memref<200xi32, #tpu.memory_space<hbm>>
    tpu.wait_dma2 semaphore(%arg16 : memref<!tpu.dma_semaphore, #tpu.memory_space<semaphore_mem>>) src(%dma_wait3A_56 : memref<200xi32, #tpu.memory_space<hbm>>) dst(%arg8 : memref<200xi32, #tpu.memory_space<vmem>>)
    tpu.wait_dma2 semaphore(%arg28 : memref<!tpu.dma_semaphore, #tpu.memory_space<semaphore_mem>>) src(%arg6 : memref<200x128xf32, #tpu.memory_space<vmem_shared>>) dst(%arg12 : memref<200x128xf32, #tpu.memory_space<vmem>>)
    %dma_start3A_57 = arith.constant 0 : i32
    %dma_start3A_58 = arith.constant 0 : i32
    %dma_start3A_59 = tpu.memref_slice %arg12[%dma_start3A_57, %dma_start3A_58] : memref<200x128xf32, #tpu.memory_space<vmem>> -> memref<128x128xf32, #tpu.memory_space<vmem>>
    %dma_start3A_60 = arith.constant 0 : i32
    %dma_start3A_61 = tpu.memref_slice %arg8[%dma_start3A_60] : memref<200xi32, #tpu.memory_space<vmem>> -> memref<128xi32, #tpu.memory_space<vmem>>
    %dma_start3A_62 = arith.constant 0 : i32
    %dma_start3A_63 = arith.constant 0 : i32
    %dma_start3A_64 = tpu.memref_slice %arg4[%dma_start3A_62, %dma_start3A_63] : memref<500000x128xf32, #tpu.memory_space<hbm>> -> memref<500000x128xf32, #tpu.memory_space<hbm>>
    tpu.enqueue_indirect_dma source(%dma_start3A_64 : memref<500000x128xf32, #tpu.memory_space<hbm>>) target(%dma_start3A_59 : memref<128x128xf32, #tpu.memory_space<vmem>>) offsets(%dma_start3A_61 : memref<128xi32, #tpu.memory_space<vmem>>) semaphore(%arg20 : memref<!tpu.dma_semaphore, #tpu.memory_space<semaphore_mem>>) {add = true}
    %dma_start3A_65 = arith.constant 128 : i32
    %dma_start3A_66 = arith.constant 0 : i32
    %dma_start3A_67 = tpu.memref_slice %arg12[%dma_start3A_65, %dma_start3A_66] : memref<200x128xf32, #tpu.memory_space<vmem>> -> memref<72x128xf32, #tpu.memory_space<vmem>>
    %dma_start3A_68 = arith.constant 128 : i32
    %dma_start3A_69 = tpu.memref_slice %arg8[%dma_start3A_68] : memref<200xi32, #tpu.memory_space<vmem>> -> memref<72xi32, #tpu.memory_space<vmem>>
    %dma_start3A_70 = arith.constant 0 : i32
    %dma_start3A_71 = arith.constant 0 : i32
    %dma_start3A_72 = tpu.memref_slice %arg4[%dma_start3A_70, %dma_start3A_71] : memref<500000x128xf32, #tpu.memory_space<hbm>> -> memref<500000x128xf32, #tpu.memory_space<hbm>>
    tpu.enqueue_indirect_dma source(%dma_start3A_72 : memref<500000x128xf32, #tpu.memory_space<hbm>>) target(%dma_start3A_67 : memref<72x128xf32, #tpu.memory_space<vmem>>) offsets(%dma_start3A_69 : memref<72xi32, #tpu.memory_space<vmem>>) semaphore(%arg20 : memref<!tpu.dma_semaphore, #tpu.memory_space<semaphore_mem>>) {add = true}
    %scan3A = arith.constant 0 : i32
    %scan3A_73 = arith.constant 0 : i32
    %scan3A_74 = arith.constant 32 : i32
    %scan3A_75 = arith.addi %scan3A_73, %scan3A_74 : i32
    %scan3A_76 = arith.constant 1 : i32
    scf.for %scan3A_114 = %scan3A_73 to %scan3A_75 step %scan3A_76  : i32 {
      %mul3A_115 = arith.constant 4 : i32
      %mul3A_116 = arith.muli %scan3A_114, %mul3A_115 : i32
      %add3A_117 = arith.constant 0 : i32
      %add3A_118 = arith.addi %mul3A_116, %add3A_117 : i32
      %dma_wait3A_119 = arith.constant 0 : i32
      %dma_wait3A_120 = arith.constant 0 : i32
      %dma_wait3A_121 = tpu.memref_slice %arg11[%dma_wait3A_119, %dma_wait3A_120] : memref<200x128xf32, #tpu.memory_space<vmem>> -> memref<128x128xf32, #tpu.memory_space<vmem>>
      %dma_wait3A_122 = arith.constant 0 : i32
      %dma_wait3A_123 = tpu.memref_slice %arg7[%dma_wait3A_122] : memref<200xi32, #tpu.memory_space<vmem>> -> memref<128xi32, #tpu.memory_space<vmem>>
      %dma_wait3A_124 = arith.constant 0 : i32
      %dma_wait3A_125 = arith.constant 0 : i32
      %dma_wait3A_126 = tpu.memref_slice %arg4[%dma_wait3A_124, %dma_wait3A_125] : memref<500000x128xf32, #tpu.memory_space<hbm>> -> memref<500000x128xf32, #tpu.memory_space<hbm>>
      tpu.wait_indirect_dma semaphore(%arg19 : memref<!tpu.dma_semaphore, #tpu.memory_space<semaphore_mem>>) src(%dma_wait3A_126 : memref<500000x128xf32, #tpu.memory_space<hbm>>) dst(%dma_wait3A_121 : memref<128x128xf32, #tpu.memory_space<vmem>>)
      %dma_wait3A_127 = arith.constant 128 : i32
      %dma_wait3A_128 = arith.constant 0 : i32
      %dma_wait3A_129 = tpu.memref_slice %arg11[%dma_wait3A_127, %dma_wait3A_128] : memref<200x128xf32, #tpu.memory_space<vmem>> -> memref<72x128xf32, #tpu.memory_space<vmem>>
      %dma_wait3A_130 = arith.constant 0 : i32
      %dma_wait3A_131 = tpu.memref_slice %arg7[%dma_wait3A_130] : memref<200xi32, #tpu.memory_space<vmem>> -> memref<72xi32, #tpu.memory_space<vmem>>
      %dma_wait3A_132 = arith.constant 0 : i32
      %dma_wait3A_133 = arith.constant 0 : i32
      %dma_wait3A_134 = tpu.memref_slice %arg4[%dma_wait3A_132, %dma_wait3A_133] : memref<500000x128xf32, #tpu.memory_space<hbm>> -> memref<500000x128xf32, #tpu.memory_space<hbm>>
      tpu.wait_indirect_dma semaphore(%arg19 : memref<!tpu.dma_semaphore, #tpu.memory_space<semaphore_mem>>) src(%dma_wait3A_134 : memref<500000x128xf32, #tpu.memory_space<hbm>>) dst(%dma_wait3A_129 : memref<72x128xf32, #tpu.memory_space<vmem>>)
      %add3A_135 = arith.addi %mul3A_2, %add3A_118 : i32
      %dma_start3A_136 = arith.constant 0 : i32
      %dma_start3A_137 = arith.constant 0 : i32
      %dma_start3A_138 = tpu.memref_slice %arg5[%add3A_135, %dma_start3A_136, %dma_start3A_137] : memref<4096x200x128xf32, #tpu.memory_space<hbm>> -> memref<1x200x128xf32, #tpu.memory_space<hbm>>
      %dma_start3A_139 = tpu.memref_squeeze %dma_start3A_138 : memref<1x200x128xf32, #tpu.memory_space<hbm>> -> memref<200x128xf32, #tpu.memory_space<hbm>>
      %dma_start3A_140 = arith.constant 0 : i32
      %dma_start3A_141 = arith.constant 0 : i32
      %dma_start3A_142 = tpu.memref_slice %arg5[%add3A_135, %dma_start3A_140, %dma_start3A_141] : memref<4096x200x128xf32, #tpu.memory_space<hbm>> -> memref<1x200x128xf32, #tpu.memory_space<hbm>>
      %dma_start3A_143 = tpu.memref_squeeze %dma_start3A_142 : memref<1x200x128xf32, #tpu.memory_space<hbm>> -> memref<200x128xf32, #tpu.memory_space<hbm>>
      tpu.enqueue_dma source(%arg11 : memref<200x128xf32, #tpu.memory_space<vmem>>) target(%dma_start3A_143 : memref<200x128xf32, #tpu.memory_space<hbm>>) target_semaphore(%arg23 : memref<!tpu.dma_semaphore, #tpu.memory_space<semaphore_mem>>)
      %add3A_144 = arith.constant 3 : i32
      %add3A_145 = arith.addi %add3A_118, %add3A_144 : i32
      %lt3A = arith.constant 128 : i32
      %lt3A_146 = arith.cmpi slt, %add3A_145, %lt3A : i32
      %ge3A = arith.constant 4 : i32
      %ge3A_147 = arith.cmpi sge, %add3A_145, %ge3A : i32
      %and3A = arith.andi %lt3A_146, %ge3A_147 : i1
      %convert_element_type3A_148 = arith.extui %and3A : i1 to i32
      %cond3A_149 = arith.constant 0 : i32
      %cond3A_150 = arith.cmpi ne, %convert_element_type3A_148, %cond3A_149 : i32
      scf.if %cond3A_150 {
        %dma_wait3A_310 = arith.constant 0 : i32
        %dma_wait3A_311 = arith.constant 0 : i32
        %dma_wait3A_312 = arith.constant 0 : i32
        %dma_wait3A_313 = tpu.memref_slice %arg5[%dma_wait3A_310, %dma_wait3A_311, %dma_wait3A_312] : memref<4096x200x128xf32, #tpu.memory_space<hbm>> -> memref<1x200x128xf32, #tpu.memory_space<hbm>>
        %dma_wait3A_314 = tpu.memref_squeeze %dma_wait3A_313 : memref<1x200x128xf32, #tpu.memory_space<hbm>> -> memref<200x128xf32, #tpu.memory_space<hbm>>
        %dma_wait3A_315 = arith.constant 0 : i32
        %dma_wait3A_316 = arith.constant 0 : i32
        %dma_wait3A_317 = tpu.memref_slice %arg5[%dma_wait3A_310, %dma_wait3A_315, %dma_wait3A_316] : memref<4096x200x128xf32, #tpu.memory_space<hbm>> -> memref<1x200x128xf32, #tpu.memory_space<hbm>>
        %dma_wait3A_318 = tpu.memref_squeeze %dma_wait3A_317 : memref<1x200x128xf32, #tpu.memory_space<hbm>> -> memref<200x128xf32, #tpu.memory_space<hbm>>
        tpu.wait_dma2 semaphore(%arg26 : memref<!tpu.dma_semaphore, #tpu.memory_space<semaphore_mem>>) src(%arg14 : memref<200x128xf32, #tpu.memory_space<vmem>>) dst(%dma_wait3A_318 : memref<200x128xf32, #tpu.memory_space<hbm>>)
      } else {
      }
      %lt3A_151 = arith.constant 128 : i32
      %lt3A_152 = arith.cmpi slt, %add3A_145, %lt3A_151 : i32
      %convert_element_type3A_153 = arith.extui %lt3A_152 : i1 to i32
      %cond3A_154 = arith.constant 0 : i32
      %cond3A_155 = arith.cmpi ne, %convert_element_type3A_153, %cond3A_154 : i32
      scf.if %cond3A_155 {
        %add3A_310 = arith.addi %mul3A_2, %add3A_145 : i32
        %dma_start3A_311 = arith.constant 0 : i32
        %dma_start3A_312 = tpu.memref_slice %arg2[%add3A_310, %dma_start3A_311] : memref<4096x200xi32, #tpu.memory_space<hbm>> -> memref<1x200xi32, #tpu.memory_space<hbm>>
        %dma_start3A_313 = tpu.memref_squeeze %dma_start3A_312 : memref<1x200xi32, #tpu.memory_space<hbm>> -> memref<200xi32, #tpu.memory_space<hbm>>
        %dma_start3A_314 = arith.constant 0 : i32
        %dma_start3A_315 = tpu.memref_slice %arg2[%add3A_310, %dma_start3A_314] : memref<4096x200xi32, #tpu.memory_space<hbm>> -> memref<1x200xi32, #tpu.memory_space<hbm>>
        %dma_start3A_316 = tpu.memref_squeeze %dma_start3A_315 : memref<1x200xi32, #tpu.memory_space<hbm>> -> memref<200xi32, #tpu.memory_space<hbm>>
        tpu.enqueue_dma source(%dma_start3A_316 : memref<200xi32, #tpu.memory_space<hbm>>) target(%arg10 : memref<200xi32, #tpu.memory_space<vmem>>) target_semaphore(%arg18 : memref<!tpu.dma_semaphore, #tpu.memory_space<semaphore_mem>>)
        tpu.enqueue_dma source(%arg6 : memref<200x128xf32, #tpu.memory_space<vmem_shared>>) target(%arg14 : memref<200x128xf32, #tpu.memory_space<vmem>>) target_semaphore(%arg30 : memref<!tpu.dma_semaphore, #tpu.memory_space<semaphore_mem>>)
      } else {
      }
      %add3A_156 = arith.constant 2 : i32
      %add3A_157 = arith.addi %add3A_118, %add3A_156 : i32
      %lt3A_158 = arith.constant 128 : i32
      %lt3A_159 = arith.cmpi slt, %add3A_157, %lt3A_158 : i32
      %convert_element_type3A_160 = arith.extui %lt3A_159 : i1 to i32
      %cond3A_161 = arith.constant 0 : i32
      %cond3A_162 = arith.cmpi ne, %convert_element_type3A_160, %cond3A_161 : i32
      scf.if %cond3A_162 {
        %dma_wait3A_310 = arith.constant 0 : i32
        %dma_wait3A_311 = arith.constant 0 : i32
        %dma_wait3A_312 = tpu.memref_slice %arg2[%dma_wait3A_310, %dma_wait3A_311] : memref<4096x200xi32, #tpu.memory_space<hbm>> -> memref<1x200xi32, #tpu.memory_space<hbm>>
        %dma_wait3A_313 = tpu.memref_squeeze %dma_wait3A_312 : memref<1x200xi32, #tpu.memory_space<hbm>> -> memref<200xi32, #tpu.memory_space<hbm>>
        %dma_wait3A_314 = arith.constant 0 : i32
        %dma_wait3A_315 = tpu.memref_slice %arg2[%dma_wait3A_310, %dma_wait3A_314] : memref<4096x200xi32, #tpu.memory_space<hbm>> -> memref<1x200xi32, #tpu.memory_space<hbm>>
        %dma_wait3A_316 = tpu.memref_squeeze %dma_wait3A_315 : memref<1x200xi32, #tpu.memory_space<hbm>> -> memref<200xi32, #tpu.memory_space<hbm>>
        tpu.wait_dma2 semaphore(%arg17 : memref<!tpu.dma_semaphore, #tpu.memory_space<semaphore_mem>>) src(%dma_wait3A_316 : memref<200xi32, #tpu.memory_space<hbm>>) dst(%arg9 : memref<200xi32, #tpu.memory_space<vmem>>)
        tpu.wait_dma2 semaphore(%arg29 : memref<!tpu.dma_semaphore, #tpu.memory_space<semaphore_mem>>) src(%arg6 : memref<200x128xf32, #tpu.memory_space<vmem_shared>>) dst(%arg13 : memref<200x128xf32, #tpu.memory_space<vmem>>)
        %dma_start3A_317 = arith.constant 0 : i32
        %dma_start3A_318 = arith.constant 0 : i32
        %dma_start3A_319 = tpu.memref_slice %arg13[%dma_start3A_317, %dma_start3A_318] : memref<200x128xf32, #tpu.memory_space<vmem>> -> memref<128x128xf32, #tpu.memory_space<vmem>>
        %dma_start3A_320 = arith.constant 0 : i32
        %dma_start3A_321 = tpu.memref_slice %arg9[%dma_start3A_320] : memref<200xi32, #tpu.memory_space<vmem>> -> memref<128xi32, #tpu.memory_space<vmem>>
        %dma_start3A_322 = arith.constant 0 : i32
        %dma_start3A_323 = arith.constant 0 : i32
        %dma_start3A_324 = tpu.memref_slice %arg4[%dma_start3A_322, %dma_start3A_323] : memref<500000x128xf32, #tpu.memory_space<hbm>> -> memref<500000x128xf32, #tpu.memory_space<hbm>>
        tpu.enqueue_indirect_dma source(%dma_start3A_324 : memref<500000x128xf32, #tpu.memory_space<hbm>>) target(%dma_start3A_319 : memref<128x128xf32, #tpu.memory_space<vmem>>) offsets(%dma_start3A_321 : memref<128xi32, #tpu.memory_space<vmem>>) semaphore(%arg21 : memref<!tpu.dma_semaphore, #tpu.memory_space<semaphore_mem>>) {add = true}
        %dma_start3A_325 = arith.constant 128 : i32
        %dma_start3A_326 = arith.constant 0 : i32
        %dma_start3A_327 = tpu.memref_slice %arg13[%dma_start3A_325, %dma_start3A_326] : memref<200x128xf32, #tpu.memory_space<vmem>> -> memref<72x128xf32, #tpu.memory_space<vmem>>
        %dma_start3A_328 = arith.constant 128 : i32
        %dma_start3A_329 = tpu.memref_slice %arg9[%dma_start3A_328] : memref<200xi32, #tpu.memory_space<vmem>> -> memref<72xi32, #tpu.memory_space<vmem>>
        %dma_start3A_330 = arith.constant 0 : i32
        %dma_start3A_331 = arith.constant 0 : i32
        %dma_start3A_332 = tpu.memref_slice %arg4[%dma_start3A_330, %dma_start3A_331] : memref<500000x128xf32, #tpu.memory_space<hbm>> -> memref<500000x128xf32, #tpu.memory_space<hbm>>
        tpu.enqueue_indirect_dma source(%dma_start3A_332 : memref<500000x128xf32, #tpu.memory_space<hbm>>) target(%dma_start3A_327 : memref<72x128xf32, #tpu.memory_space<vmem>>) offsets(%dma_start3A_329 : memref<72xi32, #tpu.memory_space<vmem>>) semaphore(%arg21 : memref<!tpu.dma_semaphore, #tpu.memory_space<semaphore_mem>>) {add = true}
      } else {
      }
      %add3A_163 = arith.constant 1 : i32
      %add3A_164 = arith.addi %mul3A_116, %add3A_163 : i32
      %dma_wait3A_165 = arith.constant 0 : i32
      %dma_wait3A_166 = arith.constant 0 : i32
      %dma_wait3A_167 = tpu.memref_slice %arg12[%dma_wait3A_165, %dma_wait3A_166] : memref<200x128xf32, #tpu.memory_space<vmem>> -> memref<128x128xf32, #tpu.memory_space<vmem>>
      %dma_wait3A_168 = arith.constant 0 : i32
      %dma_wait3A_169 = tpu.memref_slice %arg8[%dma_wait3A_168] : memref<200xi32, #tpu.memory_space<vmem>> -> memref<128xi32, #tpu.memory_space<vmem>>
      %dma_wait3A_170 = arith.constant 0 : i32
      %dma_wait3A_171 = arith.constant 0 : i32
      %dma_wait3A_172 = tpu.memref_slice %arg4[%dma_wait3A_170, %dma_wait3A_171] : memref<500000x128xf32, #tpu.memory_space<hbm>> -> memref<500000x128xf32, #tpu.memory_space<hbm>>
      tpu.wait_indirect_dma semaphore(%arg20 : memref<!tpu.dma_semaphore, #tpu.memory_space<semaphore_mem>>) src(%dma_wait3A_172 : memref<500000x128xf32, #tpu.memory_space<hbm>>) dst(%dma_wait3A_167 : memref<128x128xf32, #tpu.memory_space<vmem>>)
      %dma_wait3A_173 = arith.constant 128 : i32
      %dma_wait3A_174 = arith.constant 0 : i32
      %dma_wait3A_175 = tpu.memref_slice %arg12[%dma_wait3A_173, %dma_wait3A_174] : memref<200x128xf32, #tpu.memory_space<vmem>> -> memref<72x128xf32, #tpu.memory_space<vmem>>
      %dma_wait3A_176 = arith.constant 0 : i32
      %dma_wait3A_177 = tpu.memref_slice %arg8[%dma_wait3A_176] : memref<200xi32, #tpu.memory_space<vmem>> -> memref<72xi32, #tpu.memory_space<vmem>>
      %dma_wait3A_178 = arith.constant 0 : i32
      %dma_wait3A_179 = arith.constant 0 : i32
      %dma_wait3A_180 = tpu.memref_slice %arg4[%dma_wait3A_178, %dma_wait3A_179] : memref<500000x128xf32, #tpu.memory_space<hbm>> -> memref<500000x128xf32, #tpu.memory_space<hbm>>
      tpu.wait_indirect_dma semaphore(%arg20 : memref<!tpu.dma_semaphore, #tpu.memory_space<semaphore_mem>>) src(%dma_wait3A_180 : memref<500000x128xf32, #tpu.memory_space<hbm>>) dst(%dma_wait3A_175 : memref<72x128xf32, #tpu.memory_space<vmem>>)
      %add3A_181 = arith.addi %mul3A_2, %add3A_164 : i32
      %dma_start3A_182 = arith.constant 0 : i32
      %dma_start3A_183 = arith.constant 0 : i32
      %dma_start3A_184 = tpu.memref_slice %arg5[%add3A_181, %dma_start3A_182, %dma_start3A_183] : memref<4096x200x128xf32, #tpu.memory_space<hbm>> -> memref<1x200x128xf32, #tpu.memory_space<hbm>>
      %dma_start3A_185 = tpu.memref_squeeze %dma_start3A_184 : memref<1x200x128xf32, #tpu.memory_space<hbm>> -> memref<200x128xf32, #tpu.memory_space<hbm>>
      %dma_start3A_186 = arith.constant 0 : i32
      %dma_start3A_187 = arith.constant 0 : i32
      %dma_start3A_188 = tpu.memref_slice %arg5[%add3A_181, %dma_start3A_186, %dma_start3A_187] : memref<4096x200x128xf32, #tpu.memory_space<hbm>> -> memref<1x200x128xf32, #tpu.memory_space<hbm>>
      %dma_start3A_189 = tpu.memref_squeeze %dma_start3A_188 : memref<1x200x128xf32, #tpu.memory_space<hbm>> -> memref<200x128xf32, #tpu.memory_space<hbm>>
      tpu.enqueue_dma source(%arg12 : memref<200x128xf32, #tpu.memory_space<vmem>>) target(%dma_start3A_189 : memref<200x128xf32, #tpu.memory_space<hbm>>) target_semaphore(%arg24 : memref<!tpu.dma_semaphore, #tpu.memory_space<semaphore_mem>>)
      %add3A_190 = arith.constant 3 : i32
      %add3A_191 = arith.addi %add3A_164, %add3A_190 : i32
      %lt3A_192 = arith.constant 128 : i32
      %lt3A_193 = arith.cmpi slt, %add3A_191, %lt3A_192 : i32
      %ge3A_194 = arith.constant 4 : i32
      %ge3A_195 = arith.cmpi sge, %add3A_191, %ge3A_194 : i32
      %and3A_196 = arith.andi %lt3A_193, %ge3A_195 : i1
      %convert_element_type3A_197 = arith.extui %and3A_196 : i1 to i32
      %cond3A_198 = arith.constant 0 : i32
      %cond3A_199 = arith.cmpi ne, %convert_element_type3A_197, %cond3A_198 : i32
      scf.if %cond3A_199 {
        %dma_wait3A_310 = arith.constant 0 : i32
        %dma_wait3A_311 = arith.constant 0 : i32
        %dma_wait3A_312 = arith.constant 0 : i32
        %dma_wait3A_313 = tpu.memref_slice %arg5[%dma_wait3A_310, %dma_wait3A_311, %dma_wait3A_312] : memref<4096x200x128xf32, #tpu.memory_space<hbm>> -> memref<1x200x128xf32, #tpu.memory_space<hbm>>
        %dma_wait3A_314 = tpu.memref_squeeze %dma_wait3A_313 : memref<1x200x128xf32, #tpu.memory_space<hbm>> -> memref<200x128xf32, #tpu.memory_space<hbm>>
        %dma_wait3A_315 = arith.constant 0 : i32
        %dma_wait3A_316 = arith.constant 0 : i32
        %dma_wait3A_317 = tpu.memref_slice %arg5[%dma_wait3A_310, %dma_wait3A_315, %dma_wait3A_316] : memref<4096x200x128xf32, #tpu.memory_space<hbm>> -> memref<1x200x128xf32, #tpu.memory_space<hbm>>
        %dma_wait3A_318 = tpu.memref_squeeze %dma_wait3A_317 : memref<1x200x128xf32, #tpu.memory_space<hbm>> -> memref<200x128xf32, #tpu.memory_space<hbm>>
        tpu.wait_dma2 semaphore(%arg23 : memref<!tpu.dma_semaphore, #tpu.memory_space<semaphore_mem>>) src(%arg11 : memref<200x128xf32, #tpu.memory_space<vmem>>) dst(%dma_wait3A_318 : memref<200x128xf32, #tpu.memory_space<hbm>>)
      } else {
      }
      %lt3A_200 = arith.constant 128 : i32
      %lt3A_201 = arith.cmpi slt, %add3A_191, %lt3A_200 : i32
      %convert_element_type3A_202 = arith.extui %lt3A_201 : i1 to i32
      %cond3A_203 = arith.constant 0 : i32
      %cond3A_204 = arith.cmpi ne, %convert_element_type3A_202, %cond3A_203 : i32
      scf.if %cond3A_204 {
        %add3A_310 = arith.addi %mul3A_2, %add3A_191 : i32
        %dma_start3A_311 = arith.constant 0 : i32
        %dma_start3A_312 = tpu.memref_slice %arg2[%add3A_310, %dma_start3A_311] : memref<4096x200xi32, #tpu.memory_space<hbm>> -> memref<1x200xi32, #tpu.memory_space<hbm>>
        %dma_start3A_313 = tpu.memref_squeeze %dma_start3A_312 : memref<1x200xi32, #tpu.memory_space<hbm>> -> memref<200xi32, #tpu.memory_space<hbm>>
        %dma_start3A_314 = arith.constant 0 : i32
        %dma_start3A_315 = tpu.memref_slice %arg2[%add3A_310, %dma_start3A_314] : memref<4096x200xi32, #tpu.memory_space<hbm>> -> memref<1x200xi32, #tpu.memory_space<hbm>>
        %dma_start3A_316 = tpu.memref_squeeze %dma_start3A_315 : memref<1x200xi32, #tpu.memory_space<hbm>> -> memref<200xi32, #tpu.memory_space<hbm>>
        tpu.enqueue_dma source(%dma_start3A_316 : memref<200xi32, #tpu.memory_space<hbm>>) target(%arg7 : memref<200xi32, #tpu.memory_space<vmem>>) target_semaphore(%arg15 : memref<!tpu.dma_semaphore, #tpu.memory_space<semaphore_mem>>)
        tpu.enqueue_dma source(%arg6 : memref<200x128xf32, #tpu.memory_space<vmem_shared>>) target(%arg11 : memref<200x128xf32, #tpu.memory_space<vmem>>) target_semaphore(%arg27 : memref<!tpu.dma_semaphore, #tpu.memory_space<semaphore_mem>>)
      } else {
      }
      %add3A_205 = arith.constant 2 : i32
      %add3A_206 = arith.addi %add3A_164, %add3A_205 : i32
      %lt3A_207 = arith.constant 128 : i32
      %lt3A_208 = arith.cmpi slt, %add3A_206, %lt3A_207 : i32
      %convert_element_type3A_209 = arith.extui %lt3A_208 : i1 to i32
      %cond3A_210 = arith.constant 0 : i32
      %cond3A_211 = arith.cmpi ne, %convert_element_type3A_209, %cond3A_210 : i32
      scf.if %cond3A_211 {
        %dma_wait3A_310 = arith.constant 0 : i32
        %dma_wait3A_311 = arith.constant 0 : i32
        %dma_wait3A_312 = tpu.memref_slice %arg2[%dma_wait3A_310, %dma_wait3A_311] : memref<4096x200xi32, #tpu.memory_space<hbm>> -> memref<1x200xi32, #tpu.memory_space<hbm>>
        %dma_wait3A_313 = tpu.memref_squeeze %dma_wait3A_312 : memref<1x200xi32, #tpu.memory_space<hbm>> -> memref<200xi32, #tpu.memory_space<hbm>>
        %dma_wait3A_314 = arith.constant 0 : i32
        %dma_wait3A_315 = tpu.memref_slice %arg2[%dma_wait3A_310, %dma_wait3A_314] : memref<4096x200xi32, #tpu.memory_space<hbm>> -> memref<1x200xi32, #tpu.memory_space<hbm>>
        %dma_wait3A_316 = tpu.memref_squeeze %dma_wait3A_315 : memref<1x200xi32, #tpu.memory_space<hbm>> -> memref<200xi32, #tpu.memory_space<hbm>>
        tpu.wait_dma2 semaphore(%arg18 : memref<!tpu.dma_semaphore, #tpu.memory_space<semaphore_mem>>) src(%dma_wait3A_316 : memref<200xi32, #tpu.memory_space<hbm>>) dst(%arg10 : memref<200xi32, #tpu.memory_space<vmem>>)
        tpu.wait_dma2 semaphore(%arg30 : memref<!tpu.dma_semaphore, #tpu.memory_space<semaphore_mem>>) src(%arg6 : memref<200x128xf32, #tpu.memory_space<vmem_shared>>) dst(%arg14 : memref<200x128xf32, #tpu.memory_space<vmem>>)
        %dma_start3A_317 = arith.constant 0 : i32
        %dma_start3A_318 = arith.constant 0 : i32
        %dma_start3A_319 = tpu.memref_slice %arg14[%dma_start3A_317, %dma_start3A_318] : memref<200x128xf32, #tpu.memory_space<vmem>> -> memref<128x128xf32, #tpu.memory_space<vmem>>
        %dma_start3A_320 = arith.constant 0 : i32
        %dma_start3A_321 = tpu.memref_slice %arg10[%dma_start3A_320] : memref<200xi32, #tpu.memory_space<vmem>> -> memref<128xi32, #tpu.memory_space<vmem>>
        %dma_start3A_322 = arith.constant 0 : i32
        %dma_start3A_323 = arith.constant 0 : i32
        %dma_start3A_324 = tpu.memref_slice %arg4[%dma_start3A_322, %dma_start3A_323] : memref<500000x128xf32, #tpu.memory_space<hbm>> -> memref<500000x128xf32, #tpu.memory_space<hbm>>
        tpu.enqueue_indirect_dma source(%dma_start3A_324 : memref<500000x128xf32, #tpu.memory_space<hbm>>) target(%dma_start3A_319 : memref<128x128xf32, #tpu.memory_space<vmem>>) offsets(%dma_start3A_321 : memref<128xi32, #tpu.memory_space<vmem>>) semaphore(%arg22 : memref<!tpu.dma_semaphore, #tpu.memory_space<semaphore_mem>>) {add = true}
        %dma_start3A_325 = arith.constant 128 : i32
        %dma_start3A_326 = arith.constant 0 : i32
        %dma_start3A_327 = tpu.memref_slice %arg14[%dma_start3A_325, %dma_start3A_326] : memref<200x128xf32, #tpu.memory_space<vmem>> -> memref<72x128xf32, #tpu.memory_space<vmem>>
        %dma_start3A_328 = arith.constant 128 : i32
        %dma_start3A_329 = tpu.memref_slice %arg10[%dma_start3A_328] : memref<200xi32, #tpu.memory_space<vmem>> -> memref<72xi32, #tpu.memory_space<vmem>>
        %dma_start3A_330 = arith.constant 0 : i32
        %dma_start3A_331 = arith.constant 0 : i32
        %dma_start3A_332 = tpu.memref_slice %arg4[%dma_start3A_330, %dma_start3A_331] : memref<500000x128xf32, #tpu.memory_space<hbm>> -> memref<500000x128xf32, #tpu.memory_space<hbm>>
        tpu.enqueue_indirect_dma source(%dma_start3A_332 : memref<500000x128xf32, #tpu.memory_space<hbm>>) target(%dma_start3A_327 : memref<72x128xf32, #tpu.memory_space<vmem>>) offsets(%dma_start3A_329 : memref<72xi32, #tpu.memory_space<vmem>>) semaphore(%arg22 : memref<!tpu.dma_semaphore, #tpu.memory_space<semaphore_mem>>) {add = true}
      } else {
      }
      %add3A_212 = arith.constant 2 : i32
      %add3A_213 = arith.addi %mul3A_116, %add3A_212 : i32
      %dma_wait3A_214 = arith.constant 0 : i32
      %dma_wait3A_215 = arith.constant 0 : i32
      %dma_wait3A_216 = tpu.memref_slice %arg13[%dma_wait3A_214, %dma_wait3A_215] : memref<200x128xf32, #tpu.memory_space<vmem>> -> memref<128x128xf32, #tpu.memory_space<vmem>>
      %dma_wait3A_217 = arith.constant 0 : i32
      %dma_wait3A_218 = tpu.memref_slice %arg9[%dma_wait3A_217] : memref<200xi32, #tpu.memory_space<vmem>> -> memref<128xi32, #tpu.memory_space<vmem>>
      %dma_wait3A_219 = arith.constant 0 : i32
      %dma_wait3A_220 = arith.constant 0 : i32
      %dma_wait3A_221 = tpu.memref_slice %arg4[%dma_wait3A_219, %dma_wait3A_220] : memref<500000x128xf32, #tpu.memory_space<hbm>> -> memref<500000x128xf32, #tpu.memory_space<hbm>>
      tpu.wait_indirect_dma semaphore(%arg21 : memref<!tpu.dma_semaphore, #tpu.memory_space<semaphore_mem>>) src(%dma_wait3A_221 : memref<500000x128xf32, #tpu.memory_space<hbm>>) dst(%dma_wait3A_216 : memref<128x128xf32, #tpu.memory_space<vmem>>)
      %dma_wait3A_222 = arith.constant 128 : i32
      %dma_wait3A_223 = arith.constant 0 : i32
      %dma_wait3A_224 = tpu.memref_slice %arg13[%dma_wait3A_222, %dma_wait3A_223] : memref<200x128xf32, #tpu.memory_space<vmem>> -> memref<72x128xf32, #tpu.memory_space<vmem>>
      %dma_wait3A_225 = arith.constant 0 : i32
      %dma_wait3A_226 = tpu.memref_slice %arg9[%dma_wait3A_225] : memref<200xi32, #tpu.memory_space<vmem>> -> memref<72xi32, #tpu.memory_space<vmem>>
      %dma_wait3A_227 = arith.constant 0 : i32
      %dma_wait3A_228 = arith.constant 0 : i32
      %dma_wait3A_229 = tpu.memref_slice %arg4[%dma_wait3A_227, %dma_wait3A_228] : memref<500000x128xf32, #tpu.memory_space<hbm>> -> memref<500000x128xf32, #tpu.memory_space<hbm>>
      tpu.wait_indirect_dma semaphore(%arg21 : memref<!tpu.dma_semaphore, #tpu.memory_space<semaphore_mem>>) src(%dma_wait3A_229 : memref<500000x128xf32, #tpu.memory_space<hbm>>) dst(%dma_wait3A_224 : memref<72x128xf32, #tpu.memory_space<vmem>>)
      %add3A_230 = arith.addi %mul3A_2, %add3A_213 : i32
      %dma_start3A_231 = arith.constant 0 : i32
      %dma_start3A_232 = arith.constant 0 : i32
      %dma_start3A_233 = tpu.memref_slice %arg5[%add3A_230, %dma_start3A_231, %dma_start3A_232] : memref<4096x200x128xf32, #tpu.memory_space<hbm>> -> memref<1x200x128xf32, #tpu.memory_space<hbm>>
      %dma_start3A_234 = tpu.memref_squeeze %dma_start3A_233 : memref<1x200x128xf32, #tpu.memory_space<hbm>> -> memref<200x128xf32, #tpu.memory_space<hbm>>
      %dma_start3A_235 = arith.constant 0 : i32
      %dma_start3A_236 = arith.constant 0 : i32
      %dma_start3A_237 = tpu.memref_slice %arg5[%add3A_230, %dma_start3A_235, %dma_start3A_236] : memref<4096x200x128xf32, #tpu.memory_space<hbm>> -> memref<1x200x128xf32, #tpu.memory_space<hbm>>
      %dma_start3A_238 = tpu.memref_squeeze %dma_start3A_237 : memref<1x200x128xf32, #tpu.memory_space<hbm>> -> memref<200x128xf32, #tpu.memory_space<hbm>>
      tpu.enqueue_dma source(%arg13 : memref<200x128xf32, #tpu.memory_space<vmem>>) target(%dma_start3A_238 : memref<200x128xf32, #tpu.memory_space<hbm>>) target_semaphore(%arg25 : memref<!tpu.dma_semaphore, #tpu.memory_space<semaphore_mem>>)
      %add3A_239 = arith.constant 3 : i32
      %add3A_240 = arith.addi %add3A_213, %add3A_239 : i32
      %lt3A_241 = arith.constant 128 : i32
      %lt3A_242 = arith.cmpi slt, %add3A_240, %lt3A_241 : i32
      %ge3A_243 = arith.constant 4 : i32
      %ge3A_244 = arith.cmpi sge, %add3A_240, %ge3A_243 : i32
      %and3A_245 = arith.andi %lt3A_242, %ge3A_244 : i1
      %convert_element_type3A_246 = arith.extui %and3A_245 : i1 to i32
      %cond3A_247 = arith.constant 0 : i32
      %cond3A_248 = arith.cmpi ne, %convert_element_type3A_246, %cond3A_247 : i32
      scf.if %cond3A_248 {
        %dma_wait3A_310 = arith.constant 0 : i32
        %dma_wait3A_311 = arith.constant 0 : i32
        %dma_wait3A_312 = arith.constant 0 : i32
        %dma_wait3A_313 = tpu.memref_slice %arg5[%dma_wait3A_310, %dma_wait3A_311, %dma_wait3A_312] : memref<4096x200x128xf32, #tpu.memory_space<hbm>> -> memref<1x200x128xf32, #tpu.memory_space<hbm>>
        %dma_wait3A_314 = tpu.memref_squeeze %dma_wait3A_313 : memref<1x200x128xf32, #tpu.memory_space<hbm>> -> memref<200x128xf32, #tpu.memory_space<hbm>>
        %dma_wait3A_315 = arith.constant 0 : i32
        %dma_wait3A_316 = arith.constant 0 : i32
        %dma_wait3A_317 = tpu.memref_slice %arg5[%dma_wait3A_310, %dma_wait3A_315, %dma_wait3A_316] : memref<4096x200x128xf32, #tpu.memory_space<hbm>> -> memref<1x200x128xf32, #tpu.memory_space<hbm>>
        %dma_wait3A_318 = tpu.memref_squeeze %dma_wait3A_317 : memref<1x200x128xf32, #tpu.memory_space<hbm>> -> memref<200x128xf32, #tpu.memory_space<hbm>>
        tpu.wait_dma2 semaphore(%arg24 : memref<!tpu.dma_semaphore, #tpu.memory_space<semaphore_mem>>) src(%arg12 : memref<200x128xf32, #tpu.memory_space<vmem>>) dst(%dma_wait3A_318 : memref<200x128xf32, #tpu.memory_space<hbm>>)
      } else {
      }
      %lt3A_249 = arith.constant 128 : i32
      %lt3A_250 = arith.cmpi slt, %add3A_240, %lt3A_249 : i32
      %convert_element_type3A_251 = arith.extui %lt3A_250 : i1 to i32
      %cond3A_252 = arith.constant 0 : i32
      %cond3A_253 = arith.cmpi ne, %convert_element_type3A_251, %cond3A_252 : i32
      scf.if %cond3A_253 {
        %add3A_310 = arith.addi %mul3A_2, %add3A_240 : i32
        %dma_start3A_311 = arith.constant 0 : i32
        %dma_start3A_312 = tpu.memref_slice %arg2[%add3A_310, %dma_start3A_311] : memref<4096x200xi32, #tpu.memory_space<hbm>> -> memref<1x200xi32, #tpu.memory_space<hbm>>
        %dma_start3A_313 = tpu.memref_squeeze %dma_start3A_312 : memref<1x200xi32, #tpu.memory_space<hbm>> -> memref<200xi32, #tpu.memory_space<hbm>>
        %dma_start3A_314 = arith.constant 0 : i32
        %dma_start3A_315 = tpu.memref_slice %arg2[%add3A_310, %dma_start3A_314] : memref<4096x200xi32, #tpu.memory_space<hbm>> -> memref<1x200xi32, #tpu.memory_space<hbm>>
        %dma_start3A_316 = tpu.memref_squeeze %dma_start3A_315 : memref<1x200xi32, #tpu.memory_space<hbm>> -> memref<200xi32, #tpu.memory_space<hbm>>
        tpu.enqueue_dma source(%dma_start3A_316 : memref<200xi32, #tpu.memory_space<hbm>>) target(%arg8 : memref<200xi32, #tpu.memory_space<vmem>>) target_semaphore(%arg16 : memref<!tpu.dma_semaphore, #tpu.memory_space<semaphore_mem>>)
        tpu.enqueue_dma source(%arg6 : memref<200x128xf32, #tpu.memory_space<vmem_shared>>) target(%arg12 : memref<200x128xf32, #tpu.memory_space<vmem>>) target_semaphore(%arg28 : memref<!tpu.dma_semaphore, #tpu.memory_space<semaphore_mem>>)
      } else {
      }
      %add3A_254 = arith.constant 2 : i32
      %add3A_255 = arith.addi %add3A_213, %add3A_254 : i32
      %lt3A_256 = arith.constant 128 : i32
      %lt3A_257 = arith.cmpi slt, %add3A_255, %lt3A_256 : i32
      %convert_element_type3A_258 = arith.extui %lt3A_257 : i1 to i32
      %cond3A_259 = arith.constant 0 : i32
      %cond3A_260 = arith.cmpi ne, %convert_element_type3A_258, %cond3A_259 : i32
      scf.if %cond3A_260 {
        %dma_wait3A_310 = arith.constant 0 : i32
        %dma_wait3A_311 = arith.constant 0 : i32
        %dma_wait3A_312 = tpu.memref_slice %arg2[%dma_wait3A_310, %dma_wait3A_311] : memref<4096x200xi32, #tpu.memory_space<hbm>> -> memref<1x200xi32, #tpu.memory_space<hbm>>
        %dma_wait3A_313 = tpu.memref_squeeze %dma_wait3A_312 : memref<1x200xi32, #tpu.memory_space<hbm>> -> memref<200xi32, #tpu.memory_space<hbm>>
        %dma_wait3A_314 = arith.constant 0 : i32
        %dma_wait3A_315 = tpu.memref_slice %arg2[%dma_wait3A_310, %dma_wait3A_314] : memref<4096x200xi32, #tpu.memory_space<hbm>> -> memref<1x200xi32, #tpu.memory_space<hbm>>
        %dma_wait3A_316 = tpu.memref_squeeze %dma_wait3A_315 : memref<1x200xi32, #tpu.memory_space<hbm>> -> memref<200xi32, #tpu.memory_space<hbm>>
        tpu.wait_dma2 semaphore(%arg15 : memref<!tpu.dma_semaphore, #tpu.memory_space<semaphore_mem>>) src(%dma_wait3A_316 : memref<200xi32, #tpu.memory_space<hbm>>) dst(%arg7 : memref<200xi32, #tpu.memory_space<vmem>>)
        tpu.wait_dma2 semaphore(%arg27 : memref<!tpu.dma_semaphore, #tpu.memory_space<semaphore_mem>>) src(%arg6 : memref<200x128xf32, #tpu.memory_space<vmem_shared>>) dst(%arg11 : memref<200x128xf32, #tpu.memory_space<vmem>>)
        %dma_start3A_317 = arith.constant 0 : i32
        %dma_start3A_318 = arith.constant 0 : i32
        %dma_start3A_319 = tpu.memref_slice %arg11[%dma_start3A_317, %dma_start3A_318] : memref<200x128xf32, #tpu.memory_space<vmem>> -> memref<128x128xf32, #tpu.memory_space<vmem>>
        %dma_start3A_320 = arith.constant 0 : i32
        %dma_start3A_321 = tpu.memref_slice %arg7[%dma_start3A_320] : memref<200xi32, #tpu.memory_space<vmem>> -> memref<128xi32, #tpu.memory_space<vmem>>
        %dma_start3A_322 = arith.constant 0 : i32
        %dma_start3A_323 = arith.constant 0 : i32
        %dma_start3A_324 = tpu.memref_slice %arg4[%dma_start3A_322, %dma_start3A_323] : memref<500000x128xf32, #tpu.memory_space<hbm>> -> memref<500000x128xf32, #tpu.memory_space<hbm>>
        tpu.enqueue_indirect_dma source(%dma_start3A_324 : memref<500000x128xf32, #tpu.memory_space<hbm>>) target(%dma_start3A_319 : memref<128x128xf32, #tpu.memory_space<vmem>>) offsets(%dma_start3A_321 : memref<128xi32, #tpu.memory_space<vmem>>) semaphore(%arg19 : memref<!tpu.dma_semaphore, #tpu.memory_space<semaphore_mem>>) {add = true}
        %dma_start3A_325 = arith.constant 128 : i32
        %dma_start3A_326 = arith.constant 0 : i32
        %dma_start3A_327 = tpu.memref_slice %arg11[%dma_start3A_325, %dma_start3A_326] : memref<200x128xf32, #tpu.memory_space<vmem>> -> memref<72x128xf32, #tpu.memory_space<vmem>>
        %dma_start3A_328 = arith.constant 128 : i32
        %dma_start3A_329 = tpu.memref_slice %arg7[%dma_start3A_328] : memref<200xi32, #tpu.memory_space<vmem>> -> memref<72xi32, #tpu.memory_space<vmem>>
        %dma_start3A_330 = arith.constant 0 : i32
        %dma_start3A_331 = arith.constant 0 : i32
        %dma_start3A_332 = tpu.memref_slice %arg4[%dma_start3A_330, %dma_start3A_331] : memref<500000x128xf32, #tpu.memory_space<hbm>> -> memref<500000x128xf32, #tpu.memory_space<hbm>>
        tpu.enqueue_indirect_dma source(%dma_start3A_332 : memref<500000x128xf32, #tpu.memory_space<hbm>>) target(%dma_start3A_327 : memref<72x128xf32, #tpu.memory_space<vmem>>) offsets(%dma_start3A_329 : memref<72xi32, #tpu.memory_space<vmem>>) semaphore(%arg19 : memref<!tpu.dma_semaphore, #tpu.memory_space<semaphore_mem>>) {add = true}
      } else {
      }
      %add3A_261 = arith.constant 3 : i32
      %add3A_262 = arith.addi %mul3A_116, %add3A_261 : i32
      %dma_wait3A_263 = arith.constant 0 : i32
      %dma_wait3A_264 = arith.constant 0 : i32
      %dma_wait3A_265 = tpu.memref_slice %arg14[%dma_wait3A_263, %dma_wait3A_264] : memref<200x128xf32, #tpu.memory_space<vmem>> -> memref<128x128xf32, #tpu.memory_space<vmem>>
      %dma_wait3A_266 = arith.constant 0 : i32
      %dma_wait3A_267 = tpu.memref_slice %arg10[%dma_wait3A_266] : memref<200xi32, #tpu.memory_space<vmem>> -> memref<128xi32, #tpu.memory_space<vmem>>
      %dma_wait3A_268 = arith.constant 0 : i32
      %dma_wait3A_269 = arith.constant 0 : i32
      %dma_wait3A_270 = tpu.memref_slice %arg4[%dma_wait3A_268, %dma_wait3A_269] : memref<500000x128xf32, #tpu.memory_space<hbm>> -> memref<500000x128xf32, #tpu.memory_space<hbm>>
      tpu.wait_indirect_dma semaphore(%arg22 : memref<!tpu.dma_semaphore, #tpu.memory_space<semaphore_mem>>) src(%dma_wait3A_270 : memref<500000x128xf32, #tpu.memory_space<hbm>>) dst(%dma_wait3A_265 : memref<128x128xf32, #tpu.memory_space<vmem>>)
      %dma_wait3A_271 = arith.constant 128 : i32
      %dma_wait3A_272 = arith.constant 0 : i32
      %dma_wait3A_273 = tpu.memref_slice %arg14[%dma_wait3A_271, %dma_wait3A_272] : memref<200x128xf32, #tpu.memory_space<vmem>> -> memref<72x128xf32, #tpu.memory_space<vmem>>
      %dma_wait3A_274 = arith.constant 0 : i32
      %dma_wait3A_275 = tpu.memref_slice %arg10[%dma_wait3A_274] : memref<200xi32, #tpu.memory_space<vmem>> -> memref<72xi32, #tpu.memory_space<vmem>>
      %dma_wait3A_276 = arith.constant 0 : i32
      %dma_wait3A_277 = arith.constant 0 : i32
      %dma_wait3A_278 = tpu.memref_slice %arg4[%dma_wait3A_276, %dma_wait3A_277] : memref<500000x128xf32, #tpu.memory_space<hbm>> -> memref<500000x128xf32, #tpu.memory_space<hbm>>
      tpu.wait_indirect_dma semaphore(%arg22 : memref<!tpu.dma_semaphore, #tpu.memory_space<semaphore_mem>>) src(%dma_wait3A_278 : memref<500000x128xf32, #tpu.memory_space<hbm>>) dst(%dma_wait3A_273 : memref<72x128xf32, #tpu.memory_space<vmem>>)
      %add3A_279 = arith.addi %mul3A_2, %add3A_262 : i32
      %dma_start3A_280 = arith.constant 0 : i32
      %dma_start3A_281 = arith.constant 0 : i32
      %dma_start3A_282 = tpu.memref_slice %arg5[%add3A_279, %dma_start3A_280, %dma_start3A_281] : memref<4096x200x128xf32, #tpu.memory_space<hbm>> -> memref<1x200x128xf32, #tpu.memory_space<hbm>>
      %dma_start3A_283 = tpu.memref_squeeze %dma_start3A_282 : memref<1x200x128xf32, #tpu.memory_space<hbm>> -> memref<200x128xf32, #tpu.memory_space<hbm>>
      %dma_start3A_284 = arith.constant 0 : i32
      %dma_start3A_285 = arith.constant 0 : i32
      %dma_start3A_286 = tpu.memref_slice %arg5[%add3A_279, %dma_start3A_284, %dma_start3A_285] : memref<4096x200x128xf32, #tpu.memory_space<hbm>> -> memref<1x200x128xf32, #tpu.memory_space<hbm>>
      %dma_start3A_287 = tpu.memref_squeeze %dma_start3A_286 : memref<1x200x128xf32, #tpu.memory_space<hbm>> -> memref<200x128xf32, #tpu.memory_space<hbm>>
      tpu.enqueue_dma source(%arg14 : memref<200x128xf32, #tpu.memory_space<vmem>>) target(%dma_start3A_287 : memref<200x128xf32, #tpu.memory_space<hbm>>) target_semaphore(%arg26 : memref<!tpu.dma_semaphore, #tpu.memory_space<semaphore_mem>>)
      %add3A_288 = arith.constant 3 : i32
      %add3A_289 = arith.addi %add3A_262, %add3A_288 : i32
      %lt3A_290 = arith.constant 128 : i32
      %lt3A_291 = arith.cmpi slt, %add3A_289, %lt3A_290 : i32
      %ge3A_292 = arith.constant 4 : i32
      %ge3A_293 = arith.cmpi sge, %add3A_289, %ge3A_292 : i32
      %and3A_294 = arith.andi %lt3A_291, %ge3A_293 : i1
      %convert_element_type3A_295 = arith.extui %and3A_294 : i1 to i32
      %cond3A_296 = arith.constant 0 : i32
      %cond3A_297 = arith.cmpi ne, %convert_element_type3A_295, %cond3A_296 : i32
      scf.if %cond3A_297 {
        %dma_wait3A_310 = arith.constant 0 : i32
        %dma_wait3A_311 = arith.constant 0 : i32
        %dma_wait3A_312 = arith.constant 0 : i32
        %dma_wait3A_313 = tpu.memref_slice %arg5[%dma_wait3A_310, %dma_wait3A_311, %dma_wait3A_312] : memref<4096x200x128xf32, #tpu.memory_space<hbm>> -> memref<1x200x128xf32, #tpu.memory_space<hbm>>
        %dma_wait3A_314 = tpu.memref_squeeze %dma_wait3A_313 : memref<1x200x128xf32, #tpu.memory_space<hbm>> -> memref<200x128xf32, #tpu.memory_space<hbm>>
        %dma_wait3A_315 = arith.constant 0 : i32
        %dma_wait3A_316 = arith.constant 0 : i32
        %dma_wait3A_317 = tpu.memref_slice %arg5[%dma_wait3A_310, %dma_wait3A_315, %dma_wait3A_316] : memref<4096x200x128xf32, #tpu.memory_space<hbm>> -> memref<1x200x128xf32, #tpu.memory_space<hbm>>
        %dma_wait3A_318 = tpu.memref_squeeze %dma_wait3A_317 : memref<1x200x128xf32, #tpu.memory_space<hbm>> -> memref<200x128xf32, #tpu.memory_space<hbm>>
        tpu.wait_dma2 semaphore(%arg25 : memref<!tpu.dma_semaphore, #tpu.memory_space<semaphore_mem>>) src(%arg13 : memref<200x128xf32, #tpu.memory_space<vmem>>) dst(%dma_wait3A_318 : memref<200x128xf32, #tpu.memory_space<hbm>>)
      } else {
      }
      %lt3A_298 = arith.constant 128 : i32
      %lt3A_299 = arith.cmpi slt, %add3A_289, %lt3A_298 : i32
      %convert_element_type3A_300 = arith.extui %lt3A_299 : i1 to i32
      %cond3A_301 = arith.constant 0 : i32
      %cond3A_302 = arith.cmpi ne, %convert_element_type3A_300, %cond3A_301 : i32
      scf.if %cond3A_302 {
        %add3A_310 = arith.addi %mul3A_2, %add3A_289 : i32
        %dma_start3A_311 = arith.constant 0 : i32
        %dma_start3A_312 = tpu.memref_slice %arg2[%add3A_310, %dma_start3A_311] : memref<4096x200xi32, #tpu.memory_space<hbm>> -> memref<1x200xi32, #tpu.memory_space<hbm>>
        %dma_start3A_313 = tpu.memref_squeeze %dma_start3A_312 : memref<1x200xi32, #tpu.memory_space<hbm>> -> memref<200xi32, #tpu.memory_space<hbm>>
        %dma_start3A_314 = arith.constant 0 : i32
        %dma_start3A_315 = tpu.memref_slice %arg2[%add3A_310, %dma_start3A_314] : memref<4096x200xi32, #tpu.memory_space<hbm>> -> memref<1x200xi32, #tpu.memory_space<hbm>>
        %dma_start3A_316 = tpu.memref_squeeze %dma_start3A_315 : memref<1x200xi32, #tpu.memory_space<hbm>> -> memref<200xi32, #tpu.memory_space<hbm>>
        tpu.enqueue_dma source(%dma_start3A_316 : memref<200xi32, #tpu.memory_space<hbm>>) target(%arg9 : memref<200xi32, #tpu.memory_space<vmem>>) target_semaphore(%arg17 : memref<!tpu.dma_semaphore, #tpu.memory_space<semaphore_mem>>)
        tpu.enqueue_dma source(%arg6 : memref<200x128xf32, #tpu.memory_space<vmem_shared>>) target(%arg13 : memref<200x128xf32, #tpu.memory_space<vmem>>) target_semaphore(%arg29 : memref<!tpu.dma_semaphore, #tpu.memory_space<semaphore_mem>>)
      } else {
      }
      %add3A_303 = arith.constant 2 : i32
      %add3A_304 = arith.addi %add3A_262, %add3A_303 : i32
      %lt3A_305 = arith.constant 128 : i32
      %lt3A_306 = arith.cmpi slt, %add3A_304, %lt3A_305 : i32
      %convert_element_type3A_307 = arith.extui %lt3A_306 : i1 to i32
      %cond3A_308 = arith.constant 0 : i32
      %cond3A_309 = arith.cmpi ne, %convert_element_type3A_307, %cond3A_308 : i32
      scf.if %cond3A_309 {
        %dma_wait3A_310 = arith.constant 0 : i32
        %dma_wait3A_311 = arith.constant 0 : i32
        %dma_wait3A_312 = tpu.memref_slice %arg2[%dma_wait3A_310, %dma_wait3A_311] : memref<4096x200xi32, #tpu.memory_space<hbm>> -> memref<1x200xi32, #tpu.memory_space<hbm>>
        %dma_wait3A_313 = tpu.memref_squeeze %dma_wait3A_312 : memref<1x200xi32, #tpu.memory_space<hbm>> -> memref<200xi32, #tpu.memory_space<hbm>>
        %dma_wait3A_314 = arith.constant 0 : i32
        %dma_wait3A_315 = tpu.memref_slice %arg2[%dma_wait3A_310, %dma_wait3A_314] : memref<4096x200xi32, #tpu.memory_space<hbm>> -> memref<1x200xi32, #tpu.memory_space<hbm>>
        %dma_wait3A_316 = tpu.memref_squeeze %dma_wait3A_315 : memref<1x200xi32, #tpu.memory_space<hbm>> -> memref<200xi32, #tpu.memory_space<hbm>>
        tpu.wait_dma2 semaphore(%arg16 : memref<!tpu.dma_semaphore, #tpu.memory_space<semaphore_mem>>) src(%dma_wait3A_316 : memref<200xi32, #tpu.memory_space<hbm>>) dst(%arg8 : memref<200xi32, #tpu.memory_space<vmem>>)
        tpu.wait_dma2 semaphore(%arg28 : memref<!tpu.dma_semaphore, #tpu.memory_space<semaphore_mem>>) src(%arg6 : memref<200x128xf32, #tpu.memory_space<vmem_shared>>) dst(%arg12 : memref<200x128xf32, #tpu.memory_space<vmem>>)
        %dma_start3A_317 = arith.constant 0 : i32
        %dma_start3A_318 = arith.constant 0 : i32
        %dma_start3A_319 = tpu.memref_slice %arg12[%dma_start3A_317, %dma_start3A_318] : memref<200x128xf32, #tpu.memory_space<vmem>> -> memref<128x128xf32, #tpu.memory_space<vmem>>
        %dma_start3A_320 = arith.constant 0 : i32
        %dma_start3A_321 = tpu.memref_slice %arg8[%dma_start3A_320] : memref<200xi32, #tpu.memory_space<vmem>> -> memref<128xi32, #tpu.memory_space<vmem>>
        %dma_start3A_322 = arith.constant 0 : i32
        %dma_start3A_323 = arith.constant 0 : i32
        %dma_start3A_324 = tpu.memref_slice %arg4[%dma_start3A_322, %dma_start3A_323] : memref<500000x128xf32, #tpu.memory_space<hbm>> -> memref<500000x128xf32, #tpu.memory_space<hbm>>
        tpu.enqueue_indirect_dma source(%dma_start3A_324 : memref<500000x128xf32, #tpu.memory_space<hbm>>) target(%dma_start3A_319 : memref<128x128xf32, #tpu.memory_space<vmem>>) offsets(%dma_start3A_321 : memref<128xi32, #tpu.memory_space<vmem>>) semaphore(%arg20 : memref<!tpu.dma_semaphore, #tpu.memory_space<semaphore_mem>>) {add = true}
        %dma_start3A_325 = arith.constant 128 : i32
        %dma_start3A_326 = arith.constant 0 : i32
        %dma_start3A_327 = tpu.memref_slice %arg12[%dma_start3A_325, %dma_start3A_326] : memref<200x128xf32, #tpu.memory_space<vmem>> -> memref<72x128xf32, #tpu.memory_space<vmem>>
        %dma_start3A_328 = arith.constant 128 : i32
        %dma_start3A_329 = tpu.memref_slice %arg8[%dma_start3A_328] : memref<200xi32, #tpu.memory_space<vmem>> -> memref<72xi32, #tpu.memory_space<vmem>>
        %dma_start3A_330 = arith.constant 0 : i32
        %dma_start3A_331 = arith.constant 0 : i32
        %dma_start3A_332 = tpu.memref_slice %arg4[%dma_start3A_330, %dma_start3A_331] : memref<500000x128xf32, #tpu.memory_space<hbm>> -> memref<500000x128xf32, #tpu.memory_space<hbm>>
        tpu.enqueue_indirect_dma source(%dma_start3A_332 : memref<500000x128xf32, #tpu.memory_space<hbm>>) target(%dma_start3A_327 : memref<72x128xf32, #tpu.memory_space<vmem>>) offsets(%dma_start3A_329 : memref<72xi32, #tpu.memory_space<vmem>>) semaphore(%arg20 : memref<!tpu.dma_semaphore, #tpu.memory_space<semaphore_mem>>) {add = true}
      } else {
      }
    }
    %scan3A_77 = arith.constant 32 : i32
    %dma_wait3A_78 = arith.constant 0 : i32
    %dma_wait3A_79 = arith.constant 0 : i32
    %dma_wait3A_80 = arith.constant 0 : i32
    %dma_wait3A_81 = tpu.memref_slice %arg5[%dma_wait3A_78, %dma_wait3A_79, %dma_wait3A_80] : memref<4096x200x128xf32, #tpu.memory_space<hbm>> -> memref<1x200x128xf32, #tpu.memory_space<hbm>>
    %dma_wait3A_82 = tpu.memref_squeeze %dma_wait3A_81 : memref<1x200x128xf32, #tpu.memory_space<hbm>> -> memref<200x128xf32, #tpu.memory_space<hbm>>
    %dma_wait3A_83 = arith.constant 0 : i32
    %dma_wait3A_84 = arith.constant 0 : i32
    %dma_wait3A_85 = tpu.memref_slice %arg5[%dma_wait3A_78, %dma_wait3A_83, %dma_wait3A_84] : memref<4096x200x128xf32, #tpu.memory_space<hbm>> -> memref<1x200x128xf32, #tpu.memory_space<hbm>>
    %dma_wait3A_86 = tpu.memref_squeeze %dma_wait3A_85 : memref<1x200x128xf32, #tpu.memory_space<hbm>> -> memref<200x128xf32, #tpu.memory_space<hbm>>
    tpu.wait_dma2 semaphore(%arg23 : memref<!tpu.dma_semaphore, #tpu.memory_space<semaphore_mem>>) src(%arg11 : memref<200x128xf32, #tpu.memory_space<vmem>>) dst(%dma_wait3A_86 : memref<200x128xf32, #tpu.memory_space<hbm>>)
    %dma_wait3A_87 = arith.constant 0 : i32
    %dma_wait3A_88 = arith.constant 0 : i32
    %dma_wait3A_89 = arith.constant 0 : i32
    %dma_wait3A_90 = tpu.memref_slice %arg5[%dma_wait3A_87, %dma_wait3A_88, %dma_wait3A_89] : memref<4096x200x128xf32, #tpu.memory_space<hbm>> -> memref<1x200x128xf32, #tpu.memory_space<hbm>>
    %dma_wait3A_91 = tpu.memref_squeeze %dma_wait3A_90 : memref<1x200x128xf32, #tpu.memory_space<hbm>> -> memref<200x128xf32, #tpu.memory_space<hbm>>
    %dma_wait3A_92 = arith.constant 0 : i32
    %dma_wait3A_93 = arith.constant 0 : i32
    %dma_wait3A_94 = tpu.memref_slice %arg5[%dma_wait3A_87, %dma_wait3A_92, %dma_wait3A_93] : memref<4096x200x128xf32, #tpu.memory_space<hbm>> -> memref<1x200x128xf32, #tpu.memory_space<hbm>>
    %dma_wait3A_95 = tpu.memref_squeeze %dma_wait3A_94 : memref<1x200x128xf32, #tpu.memory_space<hbm>> -> memref<200x128xf32, #tpu.memory_space<hbm>>
    tpu.wait_dma2 semaphore(%arg24 : memref<!tpu.dma_semaphore, #tpu.memory_space<semaphore_mem>>) src(%arg12 : memref<200x128xf32, #tpu.memory_space<vmem>>) dst(%dma_wait3A_95 : memref<200x128xf32, #tpu.memory_space<hbm>>)
    %dma_wait3A_96 = arith.constant 0 : i32
    %dma_wait3A_97 = arith.constant 0 : i32
    %dma_wait3A_98 = arith.constant 0 : i32
    %dma_wait3A_99 = tpu.memref_slice %arg5[%dma_wait3A_96, %dma_wait3A_97, %dma_wait3A_98] : memref<4096x200x128xf32, #tpu.memory_space<hbm>> -> memref<1x200x128xf32, #tpu.memory_space<hbm>>
    %dma_wait3A_100 = tpu.memref_squeeze %dma_wait3A_99 : memref<1x200x128xf32, #tpu.memory_space<hbm>> -> memref<200x128xf32, #tpu.memory_space<hbm>>
    %dma_wait3A_101 = arith.constant 0 : i32
    %dma_wait3A_102 = arith.constant 0 : i32
    %dma_wait3A_103 = tpu.memref_slice %arg5[%dma_wait3A_96, %dma_wait3A_101, %dma_wait3A_102] : memref<4096x200x128xf32, #tpu.memory_space<hbm>> -> memref<1x200x128xf32, #tpu.memory_space<hbm>>
    %dma_wait3A_104 = tpu.memref_squeeze %dma_wait3A_103 : memref<1x200x128xf32, #tpu.memory_space<hbm>> -> memref<200x128xf32, #tpu.memory_space<hbm>>
    tpu.wait_dma2 semaphore(%arg25 : memref<!tpu.dma_semaphore, #tpu.memory_space<semaphore_mem>>) src(%arg13 : memref<200x128xf32, #tpu.memory_space<vmem>>) dst(%dma_wait3A_104 : memref<200x128xf32, #tpu.memory_space<hbm>>)
    %dma_wait3A_105 = arith.constant 0 : i32
    %dma_wait3A_106 = arith.constant 0 : i32
    %dma_wait3A_107 = arith.constant 0 : i32
    %dma_wait3A_108 = tpu.memref_slice %arg5[%dma_wait3A_105, %dma_wait3A_106, %dma_wait3A_107] : memref<4096x200x128xf32, #tpu.memory_space<hbm>> -> memref<1x200x128xf32, #tpu.memory_space<hbm>>
    %dma_wait3A_109 = tpu.memref_squeeze %dma_wait3A_108 : memref<1x200x128xf32, #tpu.memory_space<hbm>> -> memref<200x128xf32, #tpu.memory_space<hbm>>
    %dma_wait3A_110 = arith.constant 0 : i32
    %dma_wait3A_111 = arith.constant 0 : i32
    %dma_wait3A_112 = tpu.memref_slice %arg5[%dma_wait3A_105, %dma_wait3A_110, %dma_wait3A_111] : memref<4096x200x128xf32, #tpu.memory_space<hbm>> -> memref<1x200x128xf32, #tpu.memory_space<hbm>>
    %dma_wait3A_113 = tpu.memref_squeeze %dma_wait3A_112 : memref<1x200x128xf32, #tpu.memory_space<hbm>> -> memref<200x128xf32, #tpu.memory_space<hbm>>
    tpu.wait_dma2 semaphore(%arg26 : memref<!tpu.dma_semaphore, #tpu.memory_space<semaphore_mem>>) src(%arg14 : memref<200x128xf32, #tpu.memory_space<vmem>>) dst(%dma_wait3A_113 : memref<200x128xf32, #tpu.memory_space<hbm>>)
    return
  }
}

</mosaic_0001>

<sc_bundles>
// kernel: kernel.3.cloned.1.call-start
scs
__scs_entry_jumppad:
0x0: {  	(pc) =	sbr.rel $0x88, $3  }
0x1: {  	(tag) =	ssettag $0x0;
	lr =	simm.s32 $0x1  }
0x2: {  	[smem:$0x3F9F] =	sst lr;
	_ =	strace $0xD0000000  }
0x3: {  	_ = 	snop  }
0x4: {  	_ = 	snop  }
0x5: {  	_ = 	snop  }
0x6: {  	_ = 	snop  }
0x7: {  	_ = 	snop  }
__scs_overlays_trampoline_lowered:
0x8: {  	[smem:$0x3FAE] =	sst s0  }
0x9: {  	[smem:$0x3FAF] =	sst s1  }
0xa: {  	[smem:$0x3FB0] =	sst s2  }
0xb: {  	[smem:$0x3FB1] =	sst s3  }
0xc: {  	[smem:$0x3FB2] =	sst s4  }
0xd: {  	[smem:$0x3FB3] =	sst s5  }
0xe: {  	[smem:$0x3FB4] =	sst s6  }
0xf: {  	[smem:$0x3FB5] =	sst s7  }
0x10: {  	[smem:$0x3FB6] =	sst s8  }
0x11: {  	[smem:$0x3FB7] =	sst s9;
	s0 =	simm.s32 @!p0 $0x0  }
0x12: {  	s1 =	sld [smem:$0x3F9D];
	s0 =	simm.s32 @p0 $0x1  }
0x13: {  	[smem:$0x3FB8] =	sst s0;
	s0 =	simm.s32 @!p1 $0x0  }
0x14: {  	s2 =	sld [smem:$0x3F9C];
	s0 =	simm.s32 @p1 $0x1  }
0x15: {  	[smem:$0x3FB9] =	sst s0;
	s0 =	simm.s32 @!p2 $0x0  }
0x16: {  	s3 =	sld [smem:$0x3FDB];
	s0 =	simm.s32 @p2 $0x1  }
0x17: {  	s4 =	simm.s32 $0x1BF5;
	[smem:$0x3FBB] =	sst s0  }
0x18: {  	s0 =	sld [smem:$0x3F9E];
	_ =	swait.ge [sflag:s4], $0x0  }
0x19: {  	s7 =	sld [smem:$0x3F9F]  }
0x1a: {  	s8 =	sadd.s32 $0xFFFFE003, lr  }
0x1b: {  	s9 =	sadd.s32 $0xFFFFFEF7, lr;
	s5 =	simm.s32 $0xFFFFFFFF;
	p2 =	slt.u32 s8, $0xFFFFF086  }
0x1c: {  	p1 =	slt.u32 s9, $0xF7A;
	s5 =	simm.s32 @!p2 $0x0  }
0x1d: {  	s5 =	simm.s32 @p1 $0x1;
	p0 =	seq.s32 s7, s2  }
0x1e: {  	s7 =	smul.u32 @!p0 $0xF7A, s2;
	p2 =	seq.s32 @!p0 s5, $0x0  }
0x1f: {  	s9 =	smul.u32 $0xF7A, s1;
	s8 =	simm.s32 @!p0 $0x1BF5;
	p2 =	por !p2, p0  }
0x20: {  	[sflag:s8] =	ssyncset.s32 @!p0 $0xFFFFF086;
	s6 =	sadd.s32 @!p0 s3, s7;
	s7 =	simm.s32 @!p0 $0x108  }
0x21: {  	s3 =	sadd.s32 s3, s9;
	s6 =	sadd.s32 @!p0 $0x88, s6;
	s7 =	simm.s32 @p2 $0x1082  }
0x22: {  	[simem:s7], [sflag:s8] =	dma.local @!p0 [hbm:s6], $0xF7A  }
0x23: {  	s9 =	sor.u32 $0xD0000000, s2;
	s6 =	simm.s32 $0x108;
	_ =	swait.ge @!p0 [sflag:s8], $0x0  }
0x24: {  	s3 =	sadd.s32 $0x88, s3;
	s6 =	simm.s32 @!p1 $0x1082;
	[sflag:s4] =	ssyncset.s32 $0xFFFFF086  }
0x25: {  	[simem:s6], [sflag:s4] =	dma.local [hbm:s3], $0xF7A  }
0x26: {  	[smem:$0x3F9F] =	sst s1;
	(tag) =	ssettag s2;
	_ =	strace s9  }
0x27: {  	s1 =	sld [smem:$0x3FAF]  }
0x28: {  	s2 =	sld [smem:$0x3FB0]  }
0x29: {  	s4 =	sld [smem:$0x3FB2]  }
0x2a: {  	p0 =	seq.s32 s5, $0x0;
	s5 =	sld [smem:$0x3FB3]  }
0x2b: {  	s6 =	sld [smem:$0x3FB4]  }
0x2c: {  	s7 =	sld [smem:$0x3FB5]  }
0x2d: {  	s3 =	simm.s32 $0x108;
	s8 =	sld [smem:$0x3FB6]  }
0x2e: {  	s3 =	simm.s32 @!p0 $0x1082;
	s9 =	sld [smem:$0x3FB7]  }
0x2f: {  	lr =	sadd.s32 s0, s3;
	s0 =	sld [smem:$0x3FAE]  }
0x30: {  	s3 =	sld [smem:$0x3FB1]  }
0x31: {  	[smem:$0x3FBA] =	sst s10  }
0x32: {  	s10 =	sld [smem:$0x3FB8];
	_ =	sdelay $0x3  }
0x33: {  	p0 =	seq.s32 s10, $0x1;
	s10 =	sld [smem:$0x3FBA];
	_ =	sdelay $0x3  }
0x34: {  	[smem:$0x3FBA] =	sst s10  }
0x35: {  	s10 =	sld [smem:$0x3FB9];
	_ =	sdelay $0x3  }
0x36: {  	p1 =	seq.s32 s10, $0x1;
	s10 =	sld [smem:$0x3FBA];
	_ =	sdelay $0x3  }
0x37: {  	[smem:$0x3FBA] =	sst s10  }
0x38: {  	s10 =	sld [smem:$0x3FBB]  }
0x39: {  	_ = 	snop;
	(pc) =	sbr.ind lr, $3  }
0x3a: {  	_ = 	snop  }
0x3b: {  	_ = 	snop  }
0x3c: {  	p2 =	seq.s32 s10, $0x1;
	s10 =	sld [smem:$0x3FBA]  }
0x3d: {  	_ =	shalt  }
0x3e: {  	_ =	shalt  }
0x3f: {  	_ =	shalt  }
0x40: {  	_ =	shalt  }
0x41: {  	_ =	shalt  }
0x42: {  	_ =	shalt  }
0x43: {  	_ =	shalt  }
0x44: {  	_ =	shalt  }
0x45: {  	_ =	shalt  }
0x46: {  	_ =	shalt  }
0x47: {  	_ =	shalt  }
0x48: {  	_ =	shalt  }
0x49: {  	_ =	shalt  }
0x4a: {  	_ =	shalt  }
0x4b: {  	_ =	shalt  }
0x4c: {  	_ =	shalt  }
0x4d: {  	_ =	shalt  }
0x4e: {  	_ =	shalt  }
0x4f: {  	_ =	shalt  }
0x50: {  	_ =	shalt  }
0x51: {  	_ =	shalt  }
0x52: {  	_ =	shalt  }
0x53: {  	_ =	shalt  }
0x54: {  	_ =	shalt  }
0x55: {  	_ =	shalt  }
0x56: {  	_ =	shalt  }
0x57: {  	_ =	shalt  }
0x58: {  	_ =	shalt  }
0x59: {  	_ =	shalt  }
0x5a: {  	_ =	shalt  }
0x5b: {  	_ =	shalt  }
0x5c: {  	_ =	shalt  }
0x5d: {  	_ =	shalt  }
0x5e: {  	_ =	shalt  }
0x5f: {  	_ =	shalt  }
0x60: {  	_ =	shalt  }
0x61: {  	_ =	shalt  }
0x62: {  	_ =	shalt  }
0x63: {  	_ =	shalt  }
0x64: {  	_ =	shalt  }
0x65: {  	_ =	shalt  }
0x66: {  	_ =	shalt  }
0x67: {  	_ =	shalt  }
0x68: {  	_ =	shalt  }
0x69: {  	_ =	shalt  }
0x6a: {  	_ =	shalt  }
0x6b: {  	_ =	shalt  }
0x6c: {  	_ =	shalt  }
0x6d: {  	_ =	shalt  }
0x6e: {  	_ =	shalt  }
0x6f: {  	_ =	shalt  }
0x70: {  	_ =	shalt  }
0x71: {  	_ =	shalt  }
0x72: {  	_ =	shalt  }
0x73: {  	_ =	shalt  }
0x74: {  	_ =	shalt  }
0x75: {  	_ =	shalt  }
0x76: {  	_ =	shalt  }
0x77: {  	_ =	shalt  }
0x78: {  	_ =	shalt  }
0x79: {  	_ =	shalt  }
0x7a: {  	_ =	shalt  }
0x7b: {  	_ =	shalt  }
0x7c: {  	_ =	shalt  }
0x7d: {  	_ =	shalt  }
0x7e: {  	_ =	shalt  }
0x7f: {  	_ =	shalt  }
0x80: {  	_ =	shalt  }
0x81: {  	_ =	shalt  }
0x82: {  	_ =	shalt  }
0x83: {  	_ =	shalt  }
0x84: {  	_ =	shalt  }
0x85: {  	_ =	shalt  }
0x86: {  	_ =	shalt  }
0x87: {  	_ =	shalt  }
.Lfunc_end0:
.L_simem_size_0:
called_computation_lowered:
.L_overlay_start_0:
0x88: {  	s2 =	sld [smem:$0x3FD9]  }
0x89: {  	s3 =	sld [smem:$0x3FFE];
	_ =	sdelay $0x1  }
0x8a: {  	s1 =	srdreg.scid  }
0x8b: {  	s0 =	sand.u32 $0x1, s1  }
0x8c: {  	s17 =	sshll.u32 s0, $0xA;
	s2 =	sadd.s32 s3, s2  }
0x8d: {  	s2 =	sadd.s32 s2, s17  }
0x8e: {  	[smem:$0x3FC6] =	sst s2  }
0x8f: {  	_ = 	snop  }
0x90: {  	s2 =	sld [smem:$0x3FD0];
	(tm) =	ssettm $0x1  }
0x91: {  	s18 =	sld [smem:$0x3FFB];
	_ =	sdelay $0x3  }
0x92: {  	_ =	strace s18  }
0x93: {  	s3 =	sld [smem:$0x3FFC];
	_ =	sdelay $0x3  }
0x94: {  	_ =	strace s3  }
0x95: {  	s3 =	sld [smem:$0x3FFD];
	_ =	sdelay $0x3  }
0x96: {  	_ =	strace s3  }
0x97: {  	_ =	strace $0x8FFFFFFF  }
0x98: {  	s19 =	sld [smem:$0x3FDB];
	_ =	sdelay $0x1  }
0x99: {  	s4 =	simm.s32 $_scs_section_size  }
0x9a: {  	s5 =	simm.s32 $_size__tile_overlayer_lowered;
	s6 =	simm.s32 $_tile_overlayer_lowered  }
0x9b: {  	s22 =	simm.s32 $0x1BFF;
	s21 =	sshll.u32 s6, $0x1;
	s3 =	sadd.s32 s4, s19  }
0x9c: {  	s7 =	simm.s32 $0x0;
	s20 =	sshll.u32 s5, $0x1;
	s5 =	sadd.s32 s21, s3  }
0x9d: {  	[timem:s7], [sflag:s22] =	dma.local [hbm:s5], s20  }
0x9e: {  	_ =	swait.ge [sflag:s22], s20  }
0x9f: {  	s4 =	ssub.s32 $0x0, s20;
	[sflag:s22] =	ssyncset.done $0x0  }
0xa0: {  	[sflag:s22] =	ssyncadd.s32 s4;
	_ =	sdelay $0x1  }
0xa1: {  	s23 =	simm.s32 $0x1B8B  }
0xa2: {  	_ =	swait.ge [sflag:s23], $0x1  }
0xa3: {  	[sflag:s23] =	ssyncset.done $0x0  }
0xa4: {  	s25 =	simm.s32 $0x1B8E;
	s24 =	sld [smem:$0x3FFE];
	[sflag:s23] =	ssyncadd.s32 $0xFFFFFFFF  }
0xa5: {  	s26 =	simm.s32 $execute0_lowered;
	[smem:$0x3FD2] =	sst s25  }
0xa6: {  	s5 =	sshll.u32 s26, $0x1;
	_ =	strace $0x80000046;
	[dreg:$0x1] =	wrdreg $0xFFFFFFFF  }
0xa7: {  	s28 =	simm.s32 $_size_execute0_lowered;
	s3 =	sadd.s32 s3, s5;
	[dreg:$0x0] =	wrdreg $0x0  }
0xa8: {  	s5 =	sshll.u32 s28, $0x1;
	[dreg:$0x2] =	wrdreg s3  }
0xa9: {  	[dreg:$0x3] =	wrdreg s5  }
0xaa: {  	[dreg:$0x4] =	wrdreg $0xC0  }
0xab: {  	_ =	task [dreg:s7], $0x5FFFF  }
0xac: {  	[dreg:$0x1] =	wrdreg $0xFFFFFFFF  }
0xad: {  	[dreg:$0x0] =	wrdreg $0x60  }
0xae: {  	[dreg:$0x2] =	wrdreg s2  }
0xaf: {  	[dreg:$0x3] =	wrdreg s24  }
0xb0: {  	[dreg:$0x4] =	wrdreg $0x0  }
0xb1: {  	[dreg:$0x5] =	wrdreg $0x9  }
0xb2: {  	_ =	task.clear_ibuf [dreg:s7], $0x6FFFF;
	_ =	strace $0x90000046  }
0xb3: {  	s29 =	simm.s32 $0x9;
	_ =	strace $0x80000048  }
0xb4: {  	_ =	swait.ge [sflag:s29], $0x1  }
0xb5: {  	[sflag:s29] =	ssyncadd.s32 $0xFFFFFFFF  }
0xb6: {  	_ =	strace $0x90000048  }
0xb7: {  	_ =	sfence  }
0xb8: {  	s30 =	sld [smem:$0x0];
	_ =	sdelay $0x2  }
0xb9: {  	s31 =	sshll.u32 s1, $0xD;
	s1 =	sshrl.u32 s1, $0x2  }
0xba: {  	s3 =	sand.u32 $0x4000, s31;
	s1 =	sadd.s32 s1, s30  }
0xbb: {  	s0 =	sor.u32 s3, s0;
	s1 =	sshll.u32 s1, $0x11  }
0xbc: {  	s0 =	sor.u32 s1, s0  }
0xbd: {  	s0 =	sadd.s32 $0x8F2B, s0  }
0xbe: {  	[sflag:s0] =	ssyncadd.remote.s32 $0x1  }
0xbf: {  	_ =	sfence.sel $0xFFFF  }
0xc0: {  	[dreg:$0x0] =	wrdreg $0xFFFFFFFF;
	(pc) =	sbr.abs _section_cstart, $3  }
0xc1: {  	[dreg:$0x1] =	wrdreg $0xFFFFFFFF  }
0xc2: {  	_ =	task.clear_ibuf [dreg:s7], $0x2FFFF;
	_ =	strace $0x9FFFFFFF  }
0xc3: {  	(tm) =	ssettm $0x7FFFFFFF  }
tec
execute0_lowered:
.L_overlay_start_1:
0x0: {  	(tag) =	ssettag $0x1  }
0x1: {  	s1 =	rddreg [dreg:$0x0]  }
0x2: {  	s0 =	rddreg [dreg:$0x1]  }
0x3: {  	s2 =	rddreg [dreg:$0x2]  }
0x4: {  	s3 =	simm.s32 $0x0;
	s4 =	srdreg.scid;
	s6 =	stileid.u32  }
0x5: {  	s13 =	simm.s32 $0x80;
	s11 =	simm.s32 $0x400;
	s18 =	simm.s32 $0x6E40  }
0x6: {  	s19 =	simm.s32 $0xD240;
	s20 =	simm.s32 $0x48;
	s28 =	simm.s32 $0xE  }
0x7: {  	s31 =	simm.s32 $0x5;
	s24 =	simm.s32 $0x13640;
	s25 =	simm.s32 $0x3  }
0x8: {  	s15 =	simm.s32 $0x10;
	s21 =	simm.s32 $0x8;
	s22 =	simm.s32 $0xB  }
0x9: {  	s23 =	simm.s32 $0xD240;
	[smem:$0x7FF] =	sst s3;
	s5 =	sadd.s32 $0xC00, s0  }
0xa: {  	s4 =	sand.u32 $0x1, s4;
	s7 =	sshll.u32 s6, $0xD;
	s9 =	smul.u32 $0xC8000, s6  }
0xb: {  	p0 =	sne.s32 s6, $0x0;
	s6 =	simm.s32 $0x6;
	_ =	strace $0x80000047  }
0xc: {  	[dreg:$0x4] =	wrdreg s5;
	s5 =	sadd.s32 $0xF43000, s0;
	s8 =	sshll.u32 s4, $0xC  }
0xd: {  	s10 =	ssub.s32 $0x2, s4;
	s4 =	smul.u32 $0x64000, s4;
	s8 =	sor.u32 s8, s7  }
0xe: {  	s26 =	sshrl.u32 s10, $0x1;
	s0 =	sadd.s32 s9, s0;
	s9 =	simm.s32 $0x0  }
0xf: {  	[dreg:$0x5] =	wrdreg s8;
	s8 =	sadd.s32 s1, s8;
	s7 =	ssub.s32 s10, s26  }
0x10: {  	s0 =	sadd.s32 s4, s0;
	s29 =	sadd.s32 $0x10, s8;
	[dreg:$0x6] =	wrdreg s8  }
.Ltmp0:
0x11: {  	s8 =	sadd.s32 $0x20, s8;
	[dreg:$0x7] =	wrdreg s29;
	(pc) =	sbr.rel .LBB2_1-.Ltmp0, $4  }
0x12: {  	s4 =	simm.s32 $0xF;
	s30 =	smax.u32 s7, $0x1;
	[dreg:$0x8] =	wrdreg s8  }
0x13: {  	s10 =	simm.s32 $0x4;
	s0 =	sadd.s32 $0x1A00, s0;
	[dreg:$0x9] =	wrdreg s30  }
0x14: {  	s26 =	simm.s32 $0x48;
	[dreg:$0xa] =	wrdreg s0;
	s0 =	sshrl.u32 @!p0 s2, $0x3  }
0x15: {  	s7 =	simm.s32 $0x7;
	[dreg:$0xb] =	wrdreg s0;
	s0 =	simm.s32 $0x840  }
.LBB2_4:
0x16: {  	s0 =	simm.s32 $0x9  }
0x17: {  	_ =	swait.ge [sflag:s0], $0x6400  }
0x18: {  	[sflag:s0] =	ssyncset.done $0x0  }
0x19: {  	s29 =	simm.s32 $0xA;
	[sflag:s0] =	ssyncadd.s32 $0xFFFF9C00  }
0x1a: {  	_ =	swait.ge [sflag:s29], $0x6400  }
0x1b: {  	[sflag:s29] =	ssyncset.done $0x0  }
0x1c: {  	[sflag:s29] =	ssyncadd.s32 $0xFFFF9C00  }
0x1d: {  	_ =	swait.ge [sflag:s22], $0x6400  }
0x1e: {  	[sflag:s22] =	ssyncset.done $0x0  }
0x1f: {  	s30 =	simm.s32 $0xC;
	[sflag:s22] =	ssyncadd.s32 $0xFFFF9C00  }
0x20: {  	_ =	swait.ge [sflag:s30], $0x6400  }
0x21: {  	s9 =	rddreg [dreg:$0xc]  }
0x22: {  	s8 =	rddreg [dreg:$0x9];
	s9 =	sadd.s32 $0x1, s9  }
0x23: {  	p1 =	sne.s32 s9, s8  }
.Ltmp1:
0x24: {  	_ = 	snop;
	(pc) =	sbr.rel @!p1 .LBB2_5-.Ltmp1, $4  }
0x25: {  	_ = 	snop  }
0x26: {  	s11 =	simm.s32 $0x400  }
0x27: {  	s18 =	simm.s32 $0x6E40;
	s19 =	simm.s32 $0xD240;
	[sflag:s30] =	ssyncset.done $0x0  }
0x28: {  	s20 =	simm.s32 $0x48;
	s0 =	simm.s32 $0x840;
	[sflag:s30] =	ssyncadd.s32 $0xFFFF9C00  }
.LBB2_1:
0x29: {  	[dreg:$0xc] =	wrdreg s9  }
0x2a: {  	s8 =	rddreg [dreg:$0x4]  }
0x2b: {  	s17 =	simm.s32 @!p0 $0x1C11;
	s9 =	rddreg [dreg:$0xb]  }
0x2c: {  	[spmem:s9], [sflag:s17] =	dma.local @!p0 [hbm:s8], $0xC80  }
0x2d: {  	s17 =	simm.s32 @!p0 $0x11  }
0x2e: {  	_ =	swait.ge @!p0 [sflag:s17], $0xC80  }
0x2f: {  	[sflag:s17] =	ssyncset.done @!p0 $0x0  }
0x30: {  	[sflag:s17] =	ssyncadd.s32 @!p0 $0xFFFFF380  }
0x31: {  	[bflag:$0x0] =	sbarrier.arrive $0xFFFF  }
0x32: {  	s9 =	simm.s32 $0x640;
	s14 =	rddreg [dreg:$0x6]  }
0x33: {  	[tilespmem:s9], [sflag:$0x1] =	stream.strided.gather [hbm4b:s14+s13], $0x100, s11, s13, $0x38;
	[tilespmem:$0x19A40] =	vst v63  }
0x34: {  	s12 =	simm.s32 $0xA40  }
0x35: {  	[tilespmem:s12], [sflag:$0xD] =	stream.linear.gather [spmem:s2], $0x6400, $0x38;
	[tilespmem:$0x19A40] =	vst v63  }
0x36: {  	s16 =	rddreg [dreg:$0x7];
	s14 =	simm.s32 $0x740  }
0x37: {  	[tilespmem:s14], [sflag:$0x2] =	stream.strided.gather [hbm4b:s16+s13], $0x100, s11, s13, $0x38;
	[tilespmem:$0x19A40] =	vst v63  }
0x38: {  	_ = 	snop  }
0x39: {  	[tilespmem:s18], [sflag:$0xE] =	stream.linear.gather [spmem:s2], $0x6400, $0x38;
	[tilespmem:$0x19A40] =	vst v63  }
0x3a: {  	s17 =	rddreg [dreg:$0x8]  }
0x3b: {  	[tilespmem:s0], [sflag:$0x3] =	stream.strided.gather [hbm4b:s17+s13], $0x100, s11, s13, $0x38;
	[tilespmem:$0x19A40] =	vst v63  }
0x3c: {  	s16 =	simm.s32 $0x1  }
0x3d: {  	[tilespmem:s19], [sflag:$0xF] =	stream.linear.gather [spmem:s2], $0x6400, $0x38;
	[tilespmem:$0x19A40] =	vst v63  }
0x3e: {  	_ =	swait.ge [sflag:s16], $0x100  }
0x3f: {  	[sflag:s16] =	ssyncset.done $0x0  }
0x40: {  	s17 =	simm.s32 $0xD;
	[sflag:s16] =	ssyncadd.s32 $0xFFFFFF00  }
0x41: {  	_ =	swait.ge [sflag:s17], $0x6400  }
0x42: {  	[sflag:s17] =	ssyncset.done $0x0  }
0x43: {  	[sflag:s17] =	ssyncadd.s32 $0xFFFF9C00  }
0x44: {  	[tilespmem:s12], [sflag:$0x5] =	stream.indirect.gather.add.f32 [hbm:s5], $0x80, s9, s13, $0xb8;
	[tilespmem:$0x19A40] =	vst v63  }
0x45: {  	s16 =	simm.s32 $0x6C0;
	s17 =	simm.s32 $0x4A40;
	s12 =	simm.s32 $0x2  }
0x46: {  	[tilespmem:s17], [sflag:$0x5] =	stream.indirect.gather.add.f32 [hbm:s5], $0x80, s16, s20, $0xb8;
	[tilespmem:$0x19A40] =	vst v63  }
0x47: {  	_ =	swait.ge [sflag:s12], $0x100  }
0x48: {  	[sflag:s12] =	ssyncset.done $0x0  }
0x49: {  	[sflag:s12] =	ssyncadd.s32 $0xFFFFFF00  }
0x4a: {  	_ =	swait.ge [sflag:s28], $0x6400  }
0x4b: {  	[sflag:s28] =	ssyncset.done $0x0  }
0x4c: {  	[sflag:s28] =	ssyncadd.s32 $0xFFFF9C00  }
0x4d: {  	[tilespmem:s18], [sflag:$0x6] =	stream.indirect.gather.add.f32 [hbm:s5], $0x80, s14, s13, $0xb8;
	[tilespmem:$0x19A40] =	vst v63  }
0x4e: {  	s16 =	simm.s32 $0x7C0;
	s17 =	simm.s32 $0xAE40;
	s29 =	rddreg [dreg:$0xa]  }
0x4f: {  	[tilespmem:s17], [sflag:$0x6] =	stream.indirect.gather.add.f32 [hbm:s5], $0x80, s16, s20, $0xb8;
	[tilespmem:$0x19A40] =	vst v63  }
0x50: {  	s30 =	rddreg [dreg:$0x5];
	s17 =	simm.s32 $0x60  }
.LBB2_2:
0x51: {  	_ =	swait.ge [sflag:s31], $0x4000  }
0x52: {  	[sflag:s31] =	ssyncset.done $0x0  }
0x53: {  	[sflag:s31] =	ssyncadd.s32 $0xFFFFC000  }
0x54: {  	_ =	swait.ge [sflag:s31], $0x2400  }
0x55: {  	s8 =	simm.s32 $0xA40;
	p1 =	seq.s32 s17, $0x60;
	[sflag:s31] =	ssyncset.done $0x0  }
0x56: {  	s14 =	sadd.s32 $0xFFFFFFD0, s17;
	s16 =	simm.s32 @!p1 $0xC;
	[sflag:s31] =	ssyncadd.s32 $0xFFFFDC00  }
0x57: {  	[hbm4b:s29+s3] =	stream.linear.scatter [tilespmem:s8], [sflag:$0x9], $0x6400, $0x38;
	[tilespmem:$0x19A40] =	vst v63  }
0x58: {  	s8 =	sand.u32 $0x70, s14;
	_ =	swait.ge @!p1 [sflag:s16], $0x6400  }
0x59: {  	s9 =	sand.u32 $0x1FF00, s30;
	s8 =	sadd.s32 s1, s8;
	[sflag:s16] =	ssyncset.done @!p1 $0x0  }
0x5a: {  	s14 =	simm.s32 $0x940;
	s8 =	sadd.s32 s9, s8;
	[sflag:s16] =	ssyncadd.s32 @!p1 $0xFFFF9C00  }
0x5b: {  	[tilespmem:s14], [sflag:$0x4] =	stream.strided.gather [hbm4b:s8+s13], $0x100, s11, s13, $0x38;
	[tilespmem:$0x19A40] =	vst v63  }
0x5c: {  	_ = 	snop  }
0x5d: {  	[tilespmem:s24], [sflag:$0x10] =	stream.linear.gather [spmem:s2], $0x6400, $0x38;
	[tilespmem:$0x19A40] =	vst v63  }
0x5e: {  	_ =	swait.ge [sflag:s25], $0x100  }
0x5f: {  	[sflag:s25] =	ssyncset.done $0x0  }
0x60: {  	[sflag:s25] =	ssyncadd.s32 $0xFFFFFF00  }
0x61: {  	_ =	swait.ge [sflag:s4], $0x6400  }
0x62: {  	[sflag:s4] =	ssyncset.done $0x0  }
0x63: {  	[sflag:s4] =	ssyncadd.s32 $0xFFFF9C00  }
0x64: {  	[tilespmem:s19], [sflag:$0x7] =	stream.indirect.gather.add.f32 [hbm:s5], $0x80, s0, s13, $0xb8;
	[tilespmem:$0x19A40] =	vst v63  }
0x65: {  	s9 =	simm.s32 $0x8C0;
	s11 =	simm.s32 $0x11240  }
0x66: {  	[tilespmem:s11], [sflag:$0x7] =	stream.indirect.gather.add.f32 [hbm:s5], $0x80, s9, s20, $0xb8;
	[tilespmem:$0x19A40] =	vst v63  }
0x67: {  	_ =	swait.ge [sflag:s6], $0x4000  }
0x68: {  	[sflag:s6] =	ssyncset.done $0x0  }
0x69: {  	[sflag:s6] =	ssyncadd.s32 $0xFFFFC000  }
0x6a: {  	_ =	swait.ge [sflag:s6], $0x2400  }
0x6b: {  	p1 =	seq.s32 s17, $0x820;
	[sflag:s6] =	ssyncset.done $0x0  }
0x6c: {  	s12 =	sadd.s32 $0xC80, s29;
	s8 =	simm.s32 @!p1 $0x9;
	[sflag:s6] =	ssyncadd.s32 $0xFFFFDC00  }
0x6d: {  	[hbm4b:s12+s3] =	stream.linear.scatter [tilespmem:s18], [sflag:$0xA], $0x6400, $0x38;
	[tilespmem:$0x19A40] =	vst v63  }
0x6e: {  	s16 =	sadd.s32 @!p1 $0x80, s30;
	s9 =	sadd.s32 @!p1 $0xFFFFFFE0, s17;
	_ =	swait.ge @!p1 [sflag:s8], $0x6400  }
0x6f: {  	s16 =	sand.u32 @!p1 $0x3FF00, s16;
	s9 =	sand.u32 @!p1 $0x40, s9;
	[sflag:s8] =	ssyncset.done @!p1 $0x0  }
0x70: {  	s9 =	sadd.s32 @!p1 s1, s9;
	s12 =	simm.s32 @!p1 $0x640;
	[sflag:s8] =	ssyncadd.s32 @!p1 $0xFFFF9C00  }
0x71: {  	s8 =	sadd.s32 @!p1 s16, s9;
	s9 =	simm.s32 @!p1 $0x80;
	s16 =	simm.s32 @!p1 $0x400  }
0x72: {  	[tilespmem:s12], [sflag:$0x1] =	stream.strided.gather @!p1 [hbm4b:s8+s9], $0x100, s16, s9, $0x38;
	[tilespmem:$0x19A40] =	vst v63  }
0x73: {  	s8 =	simm.s32 @!p1 $0xA40  }
0x74: {  	[tilespmem:s8], [sflag:$0xD] =	stream.linear.gather @!p1 [spmem:s2], $0x6400, $0x38;
	[tilespmem:$0x19A40] =	vst v63  }
0x75: {  	_ =	swait.ge [sflag:s10], $0x100  }
0x76: {  	[sflag:s10] =	ssyncset.done $0x0  }
0x77: {  	[sflag:s10] =	ssyncadd.s32 $0xFFFFFF00  }
0x78: {  	_ =	swait.ge [sflag:s15], $0x6400  }
0x79: {  	[sflag:s15] =	ssyncset.done $0x0  }
0x7a: {  	[sflag:s15] =	ssyncadd.s32 $0xFFFF9C00  }
0x7b: {  	[tilespmem:s24], [sflag:$0x8] =	stream.indirect.gather.add.f32 [hbm:s5], $0x80, s14, s13, $0xb8;
	[tilespmem:$0x19A40] =	vst v63  }
0x7c: {  	s18 =	simm.s32 $0x17640;
	s14 =	simm.s32 $0x9C0  }
0x7d: {  	[tilespmem:s18], [sflag:$0x8] =	stream.indirect.gather.add.f32 [hbm:s5], $0x80, s14, s20, $0xb8;
	[tilespmem:$0x19A40] =	vst v63  }
0x7e: {  	_ =	swait.ge [sflag:s7], $0x4000  }
0x7f: {  	[sflag:s7] =	ssyncset.done $0x0  }
0x80: {  	[sflag:s7] =	ssyncadd.s32 $0xFFFFC000  }
0x81: {  	_ =	swait.ge [sflag:s7], $0x2400  }
0x82: {  	[sflag:s7] =	ssyncset.done $0x0  }
0x83: {  	s14 =	sadd.s32 $0x1900, s29;
	[sflag:s7] =	ssyncadd.s32 $0xFFFFDC00  }
0x84: {  	[hbm4b:s14+s3] =	stream.linear.scatter [tilespmem:s19], [sflag:$0xB], $0x6400, $0x38;
	[tilespmem:$0x19A40] =	vst v63  }
0x85: {  	s11 =	simm.s32 @!p1 $0xA;
	s19 =	sadd.s32 @!p1 $0xFFFFFFF0, s17  }
0x86: {  	s14 =	sadd.s32 @!p1 $0xA0, s30;
	_ =	swait.ge @!p1 [sflag:s11], $0x6400;
	s19 =	sand.u32 @!p1 $0x50, s19  }
0x87: {  	s14 =	sand.u32 @!p1 $0x3FF00, s14;
	[sflag:s11] =	ssyncset.done @!p1 $0x0;
	s19 =	sadd.s32 @!p1 s1, s19  }
0x88: {  	[sflag:s11] =	ssyncadd.s32 @!p1 $0xFFFF9C00;
	s11 =	sadd.s32 @!p1 s14, s19;
	s14 =	simm.s32 @!p1 $0x740  }
0x89: {  	[tilespmem:s14], [sflag:$0x2] =	stream.strided.gather @!p1 [hbm4b:s11+s9], $0x100, s16, s9, $0x38;
	[tilespmem:$0x19A40] =	vst v63  }
0x8a: {  	s11 =	simm.s32 @!p1 $0x6E40  }
0x8b: {  	[tilespmem:s11], [sflag:$0xE] =	stream.linear.gather @!p1 [spmem:s2], $0x6400, $0x38;
	[tilespmem:$0x19A40] =	vst v63  }
0x8c: {  	s11 =	simm.s32 @!p1 $0x1  }
0x8d: {  	_ =	swait.ge @!p1 [sflag:s11], $0x100  }
0x8e: {  	[sflag:s11] =	ssyncset.done @!p1 $0x0  }
0x8f: {  	[sflag:s11] =	ssyncadd.s32 @!p1 $0xFFFFFF00;
	s11 =	simm.s32 @!p1 $0xD  }
0x90: {  	_ =	swait.ge @!p1 [sflag:s11], $0x6400  }
0x91: {  	[sflag:s11] =	ssyncset.done @!p1 $0x0  }
0x92: {  	[sflag:s11] =	ssyncadd.s32 @!p1 $0xFFFF9C00  }
0x93: {  	[tilespmem:s8], [sflag:$0x5] =	stream.indirect.gather.add.f32 @!p1 [hbm:s5], $0x80, s12, s9, $0xb8;
	[tilespmem:$0x19A40] =	vst v63  }
0x94: {  	s11 =	simm.s32 @!p1 $0x4A40;
	s8 =	simm.s32 @!p1 $0x48;
	s9 =	simm.s32 @!p1 $0x6C0  }
0x95: {  	[tilespmem:s11], [sflag:$0x5] =	stream.indirect.gather.add.f32 @!p1 [hbm:s5], $0x80, s9, s8, $0xb8;
	[tilespmem:$0x19A40] =	vst v63  }
0x96: {  	_ =	swait.ge [sflag:s21], $0x4000  }
0x97: {  	[sflag:s21] =	ssyncset.done $0x0  }
.Ltmp2:
0x98: {  	[sflag:s21] =	ssyncadd.s32 $0xFFFFC000;
	(pc) =	sbr.rel @p1 .LBB2_4-.Ltmp2, $4  }
0x99: {  	_ =	swait.ge [sflag:s21], $0x2400  }
0x9a: {  	s0 =	simm.s32 $0x6E40;
	s18 =	simm.s32 $0x400;
	[sflag:s21] =	ssyncset.done $0x0  }
0x9b: {  	s20 =	simm.s32 $0x840;
	s19 =	sadd.s32 $0x2580, s29;
	[sflag:s21] =	ssyncadd.s32 $0xFFFFDC00  }
0x9c: {  	[hbm4b:s19+s3] =	stream.linear.scatter [tilespmem:s24], [sflag:$0xC], $0x6400, $0x38;
	[tilespmem:$0x19A40] =	vst v63  }
0x9d: {  	_ =	swait.ge [sflag:s22], $0x6400;
	s8 =	sadd.s32 $0xC0, s30;
	s9 =	sand.u32 $0x60, s17  }
0x9e: {  	[sflag:s22] =	ssyncset.done $0x0;
	s8 =	sand.u32 $0x3FF00, s8;
	s9 =	sadd.s32 s1, s9  }
0x9f: {  	[sflag:s22] =	ssyncadd.s32 $0xFFFF9C00;
	s8 =	sadd.s32 s8, s9  }
0xa0: {  	[tilespmem:s20], [sflag:$0x3] =	stream.strided.gather [hbm4b:s8+s13], $0x100, s18, s13, $0x38;
	[tilespmem:$0x19A40] =	vst v63  }
0xa1: {  	s16 =	simm.s32 $0x2  }
0xa2: {  	[tilespmem:s23], [sflag:$0xF] =	stream.linear.gather [spmem:s2], $0x6400, $0x38;
	[tilespmem:$0x19A40] =	vst v63  }
0xa3: {  	_ =	swait.ge [sflag:s16], $0x100  }
0xa4: {  	[sflag:s16] =	ssyncset.done $0x0  }
0xa5: {  	[sflag:s16] =	ssyncadd.s32 $0xFFFFFF00  }
0xa6: {  	s19 =	simm.s32 $0x7C0;
	s30 =	sadd.s32 $0x80, s30;
	_ =	swait.ge [sflag:s28], $0x6400  }
0xa7: {  	s29 =	sadd.s32 $0x3200, s29;
	s17 =	sadd.s32 $0x40, s17;
	[sflag:s28] =	ssyncset.done $0x0  }
.Ltmp3:
0xa8: {  	s18 =	simm.s32 $0x740;
	[sflag:s28] =	ssyncadd.s32 $0xFFFF9C00;
	(pc) =	sbr.rel .LBB2_2-.Ltmp3, $4  }
0xa9: {  	[tilespmem:s0], [sflag:$0x6] =	stream.indirect.gather.add.f32 [hbm:s5], $0x80, s18, s13, $0xb8;
	[tilespmem:$0x19A40] =	vst v63  }
0xaa: {  	s11 =	simm.s32 $0x400;
	s20 =	simm.s32 $0xAE40;
	s18 =	simm.s32 $0x6E40  }
0xab: {  	[tilespmem:s20], [sflag:$0x6] =	stream.indirect.gather.add.f32 [hbm:s5], $0x80, s19, s26, $0xb8;
	[tilespmem:$0x19A40] =	vst v63  }
0xac: {  	s0 =	simm.s32 $0x840;
	s19 =	simm.s32 $0xD240;
	s20 =	simm.s32 $0x48  }
.LBB2_5:
0xad: {  	_ =	sfence.sel $0x180000  }
0xae: {  	[bflag:$0x0] =	sbarrier.arrive $0xFFFF  }
0xaf: {  	_ =	strace $0x90000047  }
0xb0: {  	[bflag:$0x2] =	sbarrier.arrive $0xFFFF  }
0xb1: {  	s0 =	rddreg [dreg:$0x3]  }
0xb2: {  	s0 =	sadd.s32 @!p0 $0x100000, s0  }
0xb3: {  	[sflag:s0] =	ssyncadd.tile.s32 @!p0 $0x1;
	_ =	shalt  }
.Lfunc_end2:
_tile_overlayer_lowered:
.L_overlay_start_2:
0xb4: {  	(tag) =	ssettag $0x2  }
0xb5: {  	s0 =	rddreg [dreg:$0x0];
	s2 =	stileid.u32  }
0xb6: {  	s1 =	rddreg [dreg:$0x1];
	p0 =	sne.s32 s2, $0x0  }
0xb7: {  	s3 =	rddreg [dreg:$0x2];
	[bflag:$0x3] =	sbarrier.arrive $0xFFFF;
	s2 =	simm.s32 @!p0 $0x1C11  }
0xb8: {  	[timem:s3], [sflag:s2] =	dma.local @!p0 [hbm:s0], s1  }
0xb9: {  	s0 =	simm.s32 @!p0 $0x11  }
0xba: {  	_ =	swait.ge @!p0 [sflag:s0], s1  }
0xbb: {  	s1 =	ssub.s32 @!p0 $0x0, s1;
	[sflag:s0] =	ssyncset.done @!p0 $0x0  }
0xbc: {  	[sflag:s0] =	ssyncadd.s32 @!p0 s1  }
0xbd: {  	[bflag:$0x3] =	sbarrier.arrive $0xFFFF  }
0xbe: {  	_ =	shalt  }

</sc_bundles>
